<compile_context>
chip_gen: v7x
topology: tpu7x:2x2x1
jax: 0.10.2.dev20260603
libtpu: 0.0.44.dev20260713+nightly
codegen_flags: <defaults>
</compile_context>

<pallas_src>
import functools

import jax
import jax.numpy as jnp
from jax import lax
from jax.experimental import pallas as pl
from jax.experimental.pallas import tpu as pltpu
from jax.experimental.pallas import tpu_sc as plsc

EMBED_DIM = 64
HIST = 200
CHUNKS = (128, 72)
NBUF = 4


@jax.jit
def _gather(seq, table):
    batch = seq.shape[0]
    info = plsc.get_sparse_core_info()
    num_workers = info.num_cores * info.num_subcores
    per_worker = batch // num_workers
    n_outer = per_worker // NBUF
    mesh = plsc.VectorSubcoreMesh(core_axis_name="c", subcore_axis_name="s")

    scratch = [pltpu.VMEM((per_worker, HIST), jnp.int32)]
    scratch += [pltpu.VMEM((HIST, EMBED_DIM), jnp.float32)] * NBUF
    scratch += [pltpu.SemaphoreType.DMA] * (2 * NBUF)

    @functools.partial(
        pl.kernel,
        mesh=mesh,
        compiler_params=pltpu.CompilerParams(use_tc_tiling_on_sc=False),
        out_type=jax.ShapeDtypeStruct((batch, HIST, EMBED_DIM), jnp.float32),
        scratch_types=scratch,
    )
    def k(seq_hbm, table_hbm, out_hbm, idx_v, *bufs_sems):
        rows = bufs_sems[:NBUF]
        gsem = bufs_sems[NBUF:2 * NBUF]
        wsem = bufs_sems[2 * NBUF:]
        wid = lax.axis_index("s") * info.num_cores + lax.axis_index("c")
        base = wid * per_worker
        pltpu.sync_copy(seq_hbm.at[pl.ds(base, per_worker)], idx_v)

        def issue_gathers(g, x):
            off = 0
            for c in CHUNKS:
                pltpu.async_copy(
                    table_hbm.at[idx_v.at[g, pl.ds(off, c)]],
                    rows[x].at[pl.ds(off, c)],
                    gsem[x],
                )
                off += c

        def drain_gathers(x):
            pltpu.make_async_copy(
                table_hbm.at[pl.ds(0, HIST)], rows[x], gsem[x]
            ).wait()

        def issue_write(g, x):
            pltpu.async_copy(rows[x], out_hbm.at[base + g], wsem[x])

        def drain_write(x):
            pltpu.make_async_copy(
                rows[x], out_hbm.at[0], wsem[x]
            ).wait()

        for b in range(NBUF - 1):
            issue_gathers(b, b)

        def body(g, x):
            @pl.when(g + NBUF - 1 < per_worker)
            def _():
                @pl.when(g >= 1)
                def _():
                    drain_write((x - 1) % NBUF)
                issue_gathers(g + NBUF - 1, (x - 1) % NBUF)

            drain_gathers(x)
            issue_write(g, x)

        def outer_body(p, carry):
            for b in range(NBUF):
                body(p * NBUF + b, b)
            return carry

        lax.fori_loop(0, n_outer, outer_body, 0)
        for b in range(NBUF):
            drain_write(b)

    return k(seq, table)


def kernel(seqTensor, table):
    return _gather(seqTensor.astype(jnp.int32), table)

# --- scband reference (transcript-rebuilt; emitter-appended) ---
"""Pipeline reference for scband-simple-embedding-21534966022365 (READ-ONLY COPY).

The authoritative reference and input builder live on the scoring server;
editing this copy changes nothing except your own understanding.
"""

import jax, jax.numpy as jnp
import numpy as np

VOCAB = 1000000
EMBED_DIM = 64
BATCH = 4096
HIST = 200

def setup_inputs(seed: int = 0) -> dict:
    key = jax.random.key(seed)
    k_idx, k_tab = jax.random.split(key)
    seqTensor = jax.random.randint(k_idx, (BATCH, HIST), 0, VOCAB, dtype=jnp.int64 if jax.config.jax_enable_x64 else jnp.int32)
    table = jax.random.normal(k_tab, (VOCAB, EMBED_DIM), dtype=jnp.float32) * 0.02
    return {"seqTensor": seqTensor, "table": table}

def reference(seqTensor, table):
    # SimpleEmbedding.forward: wordEmbedding = embedding(seqTensor)
    wordEmbedding = jnp.take(table, seqTensor, axis=0)
    return wordEmbedding

if __name__ == "__main__":
    import jax
    _d = setup_inputs()
    print(jax.jit(kernel)(*tuple(_d.values())))

</pallas_src>

<mosaic_0001>
#map = affine_map<(d0, d1) -> (0, 0)>
#map1 = affine_map<(d0, d1) -> (0, 0, 0)>
module attributes {stable_mosaic.version = 14 : i64} {
  func.func @k(%arg0: i32, %arg1: i32, %arg2: memref<4096x200xi32, #tpu.memory_space<hbm>>, %arg3: memref<1000000x64xf32, #tpu.memory_space<hbm>>, %arg4: memref<4096x200x64xf32, #tpu.memory_space<hbm>>, %arg5: memref<128x200xi32, #tpu.memory_space<vmem>>, %arg6: memref<200x64xf32, #tpu.memory_space<vmem>>, %arg7: memref<200x64xf32, #tpu.memory_space<vmem>>, %arg8: memref<200x64xf32, #tpu.memory_space<vmem>>, %arg9: memref<200x64xf32, #tpu.memory_space<vmem>>, %arg10: memref<!tpu.dma_semaphore, #tpu.memory_space<semaphore_mem>>, %arg11: memref<!tpu.dma_semaphore, #tpu.memory_space<semaphore_mem>>, %arg12: memref<!tpu.dma_semaphore, #tpu.memory_space<semaphore_mem>>, %arg13: memref<!tpu.dma_semaphore, #tpu.memory_space<semaphore_mem>>, %arg14: memref<!tpu.dma_semaphore, #tpu.memory_space<semaphore_mem>>, %arg15: memref<!tpu.dma_semaphore, #tpu.memory_space<semaphore_mem>>, %arg16: memref<!tpu.dma_semaphore, #tpu.memory_space<semaphore_mem>>, %arg17: memref<!tpu.dma_semaphore, #tpu.memory_space<semaphore_mem>>) attributes {dimension_semantics = [#tpu.dimension_semantics<core_parallel>, #tpu.dimension_semantics<subcore_parallel>], iteration_bounds = array<i64: 2, 16>, scalar_prefetch = 0 : i64, scratch_operands = 13 : i64, tpu.core_type = #tpu.core_type<sc_vector_subcore>, window_params = [{transform_indices = #map}, {transform_indices = #map}, {transform_indices = #map1}]} {
    %mul3A = arith.constant 2 : i32
    %mul3A_0 = arith.muli %arg1, %mul3A : i32
    %add3A = arith.addi %mul3A_0, %arg0 : i32
    %mul3A_1 = arith.constant 128 : i32
    %mul3A_2 = arith.muli %add3A, %mul3A_1 : i32
    "tpu.region"() ({
      %run_scoped3A = tpu.sem_alloc : memref<!tpu.dma_semaphore, #tpu.memory_space<semaphore_mem>>
      %dma_start3A_102 = arith.constant 0 : i32
      %dma_start3A_103 = tpu.memref_slice %arg2[%mul3A_2, %dma_start3A_102] : memref<4096x200xi32, #tpu.memory_space<hbm>> -> memref<128x200xi32, #tpu.memory_space<hbm>>
      %dma_start3A_104 = arith.constant 0 : i32
      %dma_start3A_105 = tpu.memref_slice %arg2[%mul3A_2, %dma_start3A_104] : memref<4096x200xi32, #tpu.memory_space<hbm>> -> memref<128x200xi32, #tpu.memory_space<hbm>>
      tpu.enqueue_dma source(%dma_start3A_105 : memref<128x200xi32, #tpu.memory_space<hbm>>) target(%arg5 : memref<128x200xi32, #tpu.memory_space<vmem>>) target_semaphore(%run_scoped3A : memref<!tpu.dma_semaphore, #tpu.memory_space<semaphore_mem>>)
      %dma_wait3A_106 = arith.constant 0 : i32
      %dma_wait3A_107 = tpu.memref_slice %arg2[%mul3A_2, %dma_wait3A_106] : memref<4096x200xi32, #tpu.memory_space<hbm>> -> memref<128x200xi32, #tpu.memory_space<hbm>>
      %dma_wait3A_108 = arith.constant 0 : i32
      %dma_wait3A_109 = tpu.memref_slice %arg2[%mul3A_2, %dma_wait3A_108] : memref<4096x200xi32, #tpu.memory_space<hbm>> -> memref<128x200xi32, #tpu.memory_space<hbm>>
      tpu.wait_dma2 semaphore(%run_scoped3A : memref<!tpu.dma_semaphore, #tpu.memory_space<semaphore_mem>>) src(%dma_wait3A_109 : memref<128x200xi32, #tpu.memory_space<hbm>>) dst(%arg5 : memref<128x200xi32, #tpu.memory_space<vmem>>)
      tpu.yield
    }) : () -> ()
    %dma_start3A = arith.constant 0 : i32
    %dma_start3A_3 = arith.constant 0 : i32
    %dma_start3A_4 = arith.constant 0 : i32
    %dma_start3A_5 = tpu.memref_slice %arg6[%dma_start3A_3, %dma_start3A_4] : memref<200x64xf32, #tpu.memory_space<vmem>> -> memref<128x64xf32, #tpu.memory_space<vmem>>
    %dma_start3A_6 = arith.constant 0 : i32
    %dma_start3A_7 = tpu.memref_slice %arg5[%dma_start3A, %dma_start3A_6] : memref<128x200xi32, #tpu.memory_space<vmem>> -> memref<1x128xi32, #tpu.memory_space<vmem>>
    %dma_start3A_8 = tpu.memref_squeeze %dma_start3A_7 : memref<1x128xi32, #tpu.memory_space<vmem>> -> memref<128xi32, #tpu.memory_space<vmem>>
    %dma_start3A_9 = arith.constant 0 : i32
    %dma_start3A_10 = arith.constant 0 : i32
    %dma_start3A_11 = tpu.memref_slice %arg3[%dma_start3A_9, %dma_start3A_10] : memref<1000000x64xf32, #tpu.memory_space<hbm>> -> memref<1000000x64xf32, #tpu.memory_space<hbm>>
    tpu.enqueue_indirect_dma source(%dma_start3A_11 : memref<1000000x64xf32, #tpu.memory_space<hbm>>) target(%dma_start3A_5 : memref<128x64xf32, #tpu.memory_space<vmem>>) offsets(%dma_start3A_8 : memref<128xi32, #tpu.memory_space<vmem>>) semaphore(%arg10 : memref<!tpu.dma_semaphore, #tpu.memory_space<semaphore_mem>>)
    %dma_start3A_12 = arith.constant 0 : i32
    %dma_start3A_13 = arith.constant 128 : i32
    %dma_start3A_14 = arith.constant 0 : i32
    %dma_start3A_15 = tpu.memref_slice %arg6[%dma_start3A_13, %dma_start3A_14] : memref<200x64xf32, #tpu.memory_space<vmem>> -> memref<72x64xf32, #tpu.memory_space<vmem>>
    %dma_start3A_16 = arith.constant 128 : i32
    %dma_start3A_17 = tpu.memref_slice %arg5[%dma_start3A_12, %dma_start3A_16] : memref<128x200xi32, #tpu.memory_space<vmem>> -> memref<1x72xi32, #tpu.memory_space<vmem>>
    %dma_start3A_18 = tpu.memref_squeeze %dma_start3A_17 : memref<1x72xi32, #tpu.memory_space<vmem>> -> memref<72xi32, #tpu.memory_space<vmem>>
    %dma_start3A_19 = arith.constant 0 : i32
    %dma_start3A_20 = arith.constant 0 : i32
    %dma_start3A_21 = tpu.memref_slice %arg3[%dma_start3A_19, %dma_start3A_20] : memref<1000000x64xf32, #tpu.memory_space<hbm>> -> memref<1000000x64xf32, #tpu.memory_space<hbm>>
    tpu.enqueue_indirect_dma source(%dma_start3A_21 : memref<1000000x64xf32, #tpu.memory_space<hbm>>) target(%dma_start3A_15 : memref<72x64xf32, #tpu.memory_space<vmem>>) offsets(%dma_start3A_18 : memref<72xi32, #tpu.memory_space<vmem>>) semaphore(%arg10 : memref<!tpu.dma_semaphore, #tpu.memory_space<semaphore_mem>>)
    %dma_start3A_22 = arith.constant 1 : i32
    %dma_start3A_23 = arith.constant 0 : i32
    %dma_start3A_24 = arith.constant 0 : i32
    %dma_start3A_25 = tpu.memref_slice %arg7[%dma_start3A_23, %dma_start3A_24] : memref<200x64xf32, #tpu.memory_space<vmem>> -> memref<128x64xf32, #tpu.memory_space<vmem>>
    %dma_start3A_26 = arith.constant 0 : i32
    %dma_start3A_27 = tpu.memref_slice %arg5[%dma_start3A_22, %dma_start3A_26] : memref<128x200xi32, #tpu.memory_space<vmem>> -> memref<1x128xi32, #tpu.memory_space<vmem>>
    %dma_start3A_28 = tpu.memref_squeeze %dma_start3A_27 : memref<1x128xi32, #tpu.memory_space<vmem>> -> memref<128xi32, #tpu.memory_space<vmem>>
    %dma_start3A_29 = arith.constant 0 : i32
    %dma_start3A_30 = arith.constant 0 : i32
    %dma_start3A_31 = tpu.memref_slice %arg3[%dma_start3A_29, %dma_start3A_30] : memref<1000000x64xf32, #tpu.memory_space<hbm>> -> memref<1000000x64xf32, #tpu.memory_space<hbm>>
    tpu.enqueue_indirect_dma source(%dma_start3A_31 : memref<1000000x64xf32, #tpu.memory_space<hbm>>) target(%dma_start3A_25 : memref<128x64xf32, #tpu.memory_space<vmem>>) offsets(%dma_start3A_28 : memref<128xi32, #tpu.memory_space<vmem>>) semaphore(%arg11 : memref<!tpu.dma_semaphore, #tpu.memory_space<semaphore_mem>>)
    %dma_start3A_32 = arith.constant 1 : i32
    %dma_start3A_33 = arith.constant 128 : i32
    %dma_start3A_34 = arith.constant 0 : i32
    %dma_start3A_35 = tpu.memref_slice %arg7[%dma_start3A_33, %dma_start3A_34] : memref<200x64xf32, #tpu.memory_space<vmem>> -> memref<72x64xf32, #tpu.memory_space<vmem>>
    %dma_start3A_36 = arith.constant 128 : i32
    %dma_start3A_37 = tpu.memref_slice %arg5[%dma_start3A_32, %dma_start3A_36] : memref<128x200xi32, #tpu.memory_space<vmem>> -> memref<1x72xi32, #tpu.memory_space<vmem>>
    %dma_start3A_38 = tpu.memref_squeeze %dma_start3A_37 : memref<1x72xi32, #tpu.memory_space<vmem>> -> memref<72xi32, #tpu.memory_space<vmem>>
    %dma_start3A_39 = arith.constant 0 : i32
    %dma_start3A_40 = arith.constant 0 : i32
    %dma_start3A_41 = tpu.memref_slice %arg3[%dma_start3A_39, %dma_start3A_40] : memref<1000000x64xf32, #tpu.memory_space<hbm>> -> memref<1000000x64xf32, #tpu.memory_space<hbm>>
    tpu.enqueue_indirect_dma source(%dma_start3A_41 : memref<1000000x64xf32, #tpu.memory_space<hbm>>) target(%dma_start3A_35 : memref<72x64xf32, #tpu.memory_space<vmem>>) offsets(%dma_start3A_38 : memref<72xi32, #tpu.memory_space<vmem>>) semaphore(%arg11 : memref<!tpu.dma_semaphore, #tpu.memory_space<semaphore_mem>>)
    %dma_start3A_42 = arith.constant 2 : i32
    %dma_start3A_43 = arith.constant 0 : i32
    %dma_start3A_44 = arith.constant 0 : i32
    %dma_start3A_45 = tpu.memref_slice %arg8[%dma_start3A_43, %dma_start3A_44] : memref<200x64xf32, #tpu.memory_space<vmem>> -> memref<128x64xf32, #tpu.memory_space<vmem>>
    %dma_start3A_46 = arith.constant 0 : i32
    %dma_start3A_47 = tpu.memref_slice %arg5[%dma_start3A_42, %dma_start3A_46] : memref<128x200xi32, #tpu.memory_space<vmem>> -> memref<1x128xi32, #tpu.memory_space<vmem>>
    %dma_start3A_48 = tpu.memref_squeeze %dma_start3A_47 : memref<1x128xi32, #tpu.memory_space<vmem>> -> memref<128xi32, #tpu.memory_space<vmem>>
    %dma_start3A_49 = arith.constant 0 : i32
    %dma_start3A_50 = arith.constant 0 : i32
    %dma_start3A_51 = tpu.memref_slice %arg3[%dma_start3A_49, %dma_start3A_50] : memref<1000000x64xf32, #tpu.memory_space<hbm>> -> memref<1000000x64xf32, #tpu.memory_space<hbm>>
    tpu.enqueue_indirect_dma source(%dma_start3A_51 : memref<1000000x64xf32, #tpu.memory_space<hbm>>) target(%dma_start3A_45 : memref<128x64xf32, #tpu.memory_space<vmem>>) offsets(%dma_start3A_48 : memref<128xi32, #tpu.memory_space<vmem>>) semaphore(%arg12 : memref<!tpu.dma_semaphore, #tpu.memory_space<semaphore_mem>>)
    %dma_start3A_52 = arith.constant 2 : i32
    %dma_start3A_53 = arith.constant 128 : i32
    %dma_start3A_54 = arith.constant 0 : i32
    %dma_start3A_55 = tpu.memref_slice %arg8[%dma_start3A_53, %dma_start3A_54] : memref<200x64xf32, #tpu.memory_space<vmem>> -> memref<72x64xf32, #tpu.memory_space<vmem>>
    %dma_start3A_56 = arith.constant 128 : i32
    %dma_start3A_57 = tpu.memref_slice %arg5[%dma_start3A_52, %dma_start3A_56] : memref<128x200xi32, #tpu.memory_space<vmem>> -> memref<1x72xi32, #tpu.memory_space<vmem>>
    %dma_start3A_58 = tpu.memref_squeeze %dma_start3A_57 : memref<1x72xi32, #tpu.memory_space<vmem>> -> memref<72xi32, #tpu.memory_space<vmem>>
    %dma_start3A_59 = arith.constant 0 : i32
    %dma_start3A_60 = arith.constant 0 : i32
    %dma_start3A_61 = tpu.memref_slice %arg3[%dma_start3A_59, %dma_start3A_60] : memref<1000000x64xf32, #tpu.memory_space<hbm>> -> memref<1000000x64xf32, #tpu.memory_space<hbm>>
    tpu.enqueue_indirect_dma source(%dma_start3A_61 : memref<1000000x64xf32, #tpu.memory_space<hbm>>) target(%dma_start3A_55 : memref<72x64xf32, #tpu.memory_space<vmem>>) offsets(%dma_start3A_58 : memref<72xi32, #tpu.memory_space<vmem>>) semaphore(%arg12 : memref<!tpu.dma_semaphore, #tpu.memory_space<semaphore_mem>>)
    %scan3A = arith.constant 0 : i32
    %scan3A_62 = arith.constant 0 : i32
    %scan3A_63 = arith.constant 32 : i32
    %scan3A_64 = arith.addi %scan3A_62, %scan3A_63 : i32
    %scan3A_65 = arith.constant 1 : i32
    scf.for %scan3A_102 = %scan3A_62 to %scan3A_64 step %scan3A_65  : i32 {
      %mul3A_103 = arith.constant 4 : i32
      %mul3A_104 = arith.muli %scan3A_102, %mul3A_103 : i32
      %add3A_105 = arith.constant 0 : i32
      %add3A_106 = arith.addi %mul3A_104, %add3A_105 : i32
      %add3A_107 = arith.constant 4 : i32
      %add3A_108 = arith.addi %add3A_106, %add3A_107 : i32
      %sub3A = arith.constant 1 : i32
      %sub3A_109 = arith.subi %add3A_108, %sub3A : i32
      %lt3A = arith.constant 128 : i32
      %lt3A_110 = arith.cmpi slt, %sub3A_109, %lt3A : i32
      %convert_element_type3A = arith.extui %lt3A_110 : i1 to i32
      %cond3A = arith.constant 0 : i32
      %cond3A_111 = arith.cmpi ne, %convert_element_type3A, %cond3A : i32
      scf.if %cond3A_111 {
        %ge3A = arith.constant 1 : i32
        %ge3A_211 = arith.cmpi sge, %add3A_106, %ge3A : i32
        %convert_element_type3A_212 = arith.extui %ge3A_211 : i1 to i32
        %cond3A_213 = arith.constant 0 : i32
        %cond3A_214 = arith.cmpi ne, %convert_element_type3A_212, %cond3A_213 : i32
        scf.if %cond3A_214 {
          %dma_wait3A_237 = arith.constant 0 : i32
          %dma_wait3A_238 = arith.constant 0 : i32
          %dma_wait3A_239 = arith.constant 0 : i32
          %dma_wait3A_240 = tpu.memref_slice %arg4[%dma_wait3A_237, %dma_wait3A_238, %dma_wait3A_239] : memref<4096x200x64xf32, #tpu.memory_space<hbm>> -> memref<1x200x64xf32, #tpu.memory_space<hbm>>
          %dma_wait3A_241 = tpu.memref_squeeze %dma_wait3A_240 : memref<1x200x64xf32, #tpu.memory_space<hbm>> -> memref<200x64xf32, #tpu.memory_space<hbm>>
          %dma_wait3A_242 = arith.constant 0 : i32
          %dma_wait3A_243 = arith.constant 0 : i32
          %dma_wait3A_244 = tpu.memref_slice %arg4[%dma_wait3A_237, %dma_wait3A_242, %dma_wait3A_243] : memref<4096x200x64xf32, #tpu.memory_space<hbm>> -> memref<1x200x64xf32, #tpu.memory_space<hbm>>
          %dma_wait3A_245 = tpu.memref_squeeze %dma_wait3A_244 : memref<1x200x64xf32, #tpu.memory_space<hbm>> -> memref<200x64xf32, #tpu.memory_space<hbm>>
          tpu.wait_dma2 semaphore(%arg17 : memref<!tpu.dma_semaphore, #tpu.memory_space<semaphore_mem>>) src(%arg9 : memref<200x64xf32, #tpu.memory_space<vmem>>) dst(%dma_wait3A_245 : memref<200x64xf32, #tpu.memory_space<hbm>>)
        } else {
        }
        %add3A_215 = arith.constant 4 : i32
        %add3A_216 = arith.addi %add3A_106, %add3A_215 : i32
        %sub3A_217 = arith.constant 1 : i32
        %sub3A_218 = arith.subi %add3A_216, %sub3A_217 : i32
        %dma_start3A_219 = arith.constant 0 : i32
        %dma_start3A_220 = arith.constant 0 : i32
        %dma_start3A_221 = tpu.memref_slice %arg9[%dma_start3A_219, %dma_start3A_220] : memref<200x64xf32, #tpu.memory_space<vmem>> -> memref<128x64xf32, #tpu.memory_space<vmem>>
        %dma_start3A_222 = arith.constant 0 : i32
        %dma_start3A_223 = tpu.memref_slice %arg5[%sub3A_218, %dma_start3A_222] : memref<128x200xi32, #tpu.memory_space<vmem>> -> memref<1x128xi32, #tpu.memory_space<vmem>>
        %dma_start3A_224 = tpu.memref_squeeze %dma_start3A_223 : memref<1x128xi32, #tpu.memory_space<vmem>> -> memref<128xi32, #tpu.memory_space<vmem>>
        %dma_start3A_225 = arith.constant 0 : i32
        %dma_start3A_226 = arith.constant 0 : i32
        %dma_start3A_227 = tpu.memref_slice %arg3[%dma_start3A_225, %dma_start3A_226] : memref<1000000x64xf32, #tpu.memory_space<hbm>> -> memref<1000000x64xf32, #tpu.memory_space<hbm>>
        tpu.enqueue_indirect_dma source(%dma_start3A_227 : memref<1000000x64xf32, #tpu.memory_space<hbm>>) target(%dma_start3A_221 : memref<128x64xf32, #tpu.memory_space<vmem>>) offsets(%dma_start3A_224 : memref<128xi32, #tpu.memory_space<vmem>>) semaphore(%arg13 : memref<!tpu.dma_semaphore, #tpu.memory_space<semaphore_mem>>)
        %dma_start3A_228 = arith.constant 128 : i32
        %dma_start3A_229 = arith.constant 0 : i32
        %dma_start3A_230 = tpu.memref_slice %arg9[%dma_start3A_228, %dma_start3A_229] : memref<200x64xf32, #tpu.memory_space<vmem>> -> memref<72x64xf32, #tpu.memory_space<vmem>>
        %dma_start3A_231 = arith.constant 128 : i32
        %dma_start3A_232 = tpu.memref_slice %arg5[%sub3A_218, %dma_start3A_231] : memref<128x200xi32, #tpu.memory_space<vmem>> -> memref<1x72xi32, #tpu.memory_space<vmem>>
        %dma_start3A_233 = tpu.memref_squeeze %dma_start3A_232 : memref<1x72xi32, #tpu.memory_space<vmem>> -> memref<72xi32, #tpu.memory_space<vmem>>
        %dma_start3A_234 = arith.constant 0 : i32
        %dma_start3A_235 = arith.constant 0 : i32
        %dma_start3A_236 = tpu.memref_slice %arg3[%dma_start3A_234, %dma_start3A_235] : memref<1000000x64xf32, #tpu.memory_space<hbm>> -> memref<1000000x64xf32, #tpu.memory_space<hbm>>
        tpu.enqueue_indirect_dma source(%dma_start3A_236 : memref<1000000x64xf32, #tpu.memory_space<hbm>>) target(%dma_start3A_230 : memref<72x64xf32, #tpu.memory_space<vmem>>) offsets(%dma_start3A_233 : memref<72xi32, #tpu.memory_space<vmem>>) semaphore(%arg13 : memref<!tpu.dma_semaphore, #tpu.memory_space<semaphore_mem>>)
      } else {
      }
      %dma_wait3A_112 = arith.constant 0 : i32
      %dma_wait3A_113 = arith.constant 0 : i32
      %dma_wait3A_114 = tpu.memref_slice %arg3[%dma_wait3A_112, %dma_wait3A_113] : memref<1000000x64xf32, #tpu.memory_space<hbm>> -> memref<200x64xf32, #tpu.memory_space<hbm>>
      %dma_wait3A_115 = arith.constant 0 : i32
      %dma_wait3A_116 = arith.constant 0 : i32
      %dma_wait3A_117 = tpu.memref_slice %arg3[%dma_wait3A_115, %dma_wait3A_116] : memref<1000000x64xf32, #tpu.memory_space<hbm>> -> memref<200x64xf32, #tpu.memory_space<hbm>>
      tpu.wait_dma2 semaphore(%arg10 : memref<!tpu.dma_semaphore, #tpu.memory_space<semaphore_mem>>) src(%dma_wait3A_117 : memref<200x64xf32, #tpu.memory_space<hbm>>) dst(%arg6 : memref<200x64xf32, #tpu.memory_space<vmem>>)
      %add3A_118 = arith.addi %mul3A_2, %add3A_106 : i32
      %dma_start3A_119 = arith.constant 0 : i32
      %dma_start3A_120 = arith.constant 0 : i32
      %dma_start3A_121 = tpu.memref_slice %arg4[%add3A_118, %dma_start3A_119, %dma_start3A_120] : memref<4096x200x64xf32, #tpu.memory_space<hbm>> -> memref<1x200x64xf32, #tpu.memory_space<hbm>>
      %dma_start3A_122 = tpu.memref_squeeze %dma_start3A_121 : memref<1x200x64xf32, #tpu.memory_space<hbm>> -> memref<200x64xf32, #tpu.memory_space<hbm>>
      %dma_start3A_123 = arith.constant 0 : i32
      %dma_start3A_124 = arith.constant 0 : i32
      %dma_start3A_125 = tpu.memref_slice %arg4[%add3A_118, %dma_start3A_123, %dma_start3A_124] : memref<4096x200x64xf32, #tpu.memory_space<hbm>> -> memref<1x200x64xf32, #tpu.memory_space<hbm>>
      %dma_start3A_126 = tpu.memref_squeeze %dma_start3A_125 : memref<1x200x64xf32, #tpu.memory_space<hbm>> -> memref<200x64xf32, #tpu.memory_space<hbm>>
      tpu.enqueue_dma source(%arg6 : memref<200x64xf32, #tpu.memory_space<vmem>>) target(%dma_start3A_126 : memref<200x64xf32, #tpu.memory_space<hbm>>) target_semaphore(%arg14 : memref<!tpu.dma_semaphore, #tpu.memory_space<semaphore_mem>>)
      %mul3A_127 = arith.constant 4 : i32
      %mul3A_128 = arith.muli %scan3A_102, %mul3A_127 : i32
      %add3A_129 = arith.constant 1 : i32
      %add3A_130 = arith.addi %mul3A_128, %add3A_129 : i32
      %add3A_131 = arith.constant 4 : i32
      %add3A_132 = arith.addi %add3A_130, %add3A_131 : i32
      %sub3A_133 = arith.constant 1 : i32
      %sub3A_134 = arith.subi %add3A_132, %sub3A_133 : i32
      %lt3A_135 = arith.constant 128 : i32
      %lt3A_136 = arith.cmpi slt, %sub3A_134, %lt3A_135 : i32
      %convert_element_type3A_137 = arith.extui %lt3A_136 : i1 to i32
      %cond3A_138 = arith.constant 0 : i32
      %cond3A_139 = arith.cmpi ne, %convert_element_type3A_137, %cond3A_138 : i32
      scf.if %cond3A_139 {
        %ge3A = arith.constant 1 : i32
        %ge3A_211 = arith.cmpi sge, %add3A_130, %ge3A : i32
        %convert_element_type3A_212 = arith.extui %ge3A_211 : i1 to i32
        %cond3A_213 = arith.constant 0 : i32
        %cond3A_214 = arith.cmpi ne, %convert_element_type3A_212, %cond3A_213 : i32
        scf.if %cond3A_214 {
          %dma_wait3A_237 = arith.constant 0 : i32
          %dma_wait3A_238 = arith.constant 0 : i32
          %dma_wait3A_239 = arith.constant 0 : i32
          %dma_wait3A_240 = tpu.memref_slice %arg4[%dma_wait3A_237, %dma_wait3A_238, %dma_wait3A_239] : memref<4096x200x64xf32, #tpu.memory_space<hbm>> -> memref<1x200x64xf32, #tpu.memory_space<hbm>>
          %dma_wait3A_241 = tpu.memref_squeeze %dma_wait3A_240 : memref<1x200x64xf32, #tpu.memory_space<hbm>> -> memref<200x64xf32, #tpu.memory_space<hbm>>
          %dma_wait3A_242 = arith.constant 0 : i32
          %dma_wait3A_243 = arith.constant 0 : i32
          %dma_wait3A_244 = tpu.memref_slice %arg4[%dma_wait3A_237, %dma_wait3A_242, %dma_wait3A_243] : memref<4096x200x64xf32, #tpu.memory_space<hbm>> -> memref<1x200x64xf32, #tpu.memory_space<hbm>>
          %dma_wait3A_245 = tpu.memref_squeeze %dma_wait3A_244 : memref<1x200x64xf32, #tpu.memory_space<hbm>> -> memref<200x64xf32, #tpu.memory_space<hbm>>
          tpu.wait_dma2 semaphore(%arg14 : memref<!tpu.dma_semaphore, #tpu.memory_space<semaphore_mem>>) src(%arg6 : memref<200x64xf32, #tpu.memory_space<vmem>>) dst(%dma_wait3A_245 : memref<200x64xf32, #tpu.memory_space<hbm>>)
        } else {
        }
        %add3A_215 = arith.constant 4 : i32
        %add3A_216 = arith.addi %add3A_130, %add3A_215 : i32
        %sub3A_217 = arith.constant 1 : i32
        %sub3A_218 = arith.subi %add3A_216, %sub3A_217 : i32
        %dma_start3A_219 = arith.constant 0 : i32
        %dma_start3A_220 = arith.constant 0 : i32
        %dma_start3A_221 = tpu.memref_slice %arg6[%dma_start3A_219, %dma_start3A_220] : memref<200x64xf32, #tpu.memory_space<vmem>> -> memref<128x64xf32, #tpu.memory_space<vmem>>
        %dma_start3A_222 = arith.constant 0 : i32
        %dma_start3A_223 = tpu.memref_slice %arg5[%sub3A_218, %dma_start3A_222] : memref<128x200xi32, #tpu.memory_space<vmem>> -> memref<1x128xi32, #tpu.memory_space<vmem>>
        %dma_start3A_224 = tpu.memref_squeeze %dma_start3A_223 : memref<1x128xi32, #tpu.memory_space<vmem>> -> memref<128xi32, #tpu.memory_space<vmem>>
        %dma_start3A_225 = arith.constant 0 : i32
        %dma_start3A_226 = arith.constant 0 : i32
        %dma_start3A_227 = tpu.memref_slice %arg3[%dma_start3A_225, %dma_start3A_226] : memref<1000000x64xf32, #tpu.memory_space<hbm>> -> memref<1000000x64xf32, #tpu.memory_space<hbm>>
        tpu.enqueue_indirect_dma source(%dma_start3A_227 : memref<1000000x64xf32, #tpu.memory_space<hbm>>) target(%dma_start3A_221 : memref<128x64xf32, #tpu.memory_space<vmem>>) offsets(%dma_start3A_224 : memref<128xi32, #tpu.memory_space<vmem>>) semaphore(%arg10 : memref<!tpu.dma_semaphore, #tpu.memory_space<semaphore_mem>>)
        %dma_start3A_228 = arith.constant 128 : i32
        %dma_start3A_229 = arith.constant 0 : i32
        %dma_start3A_230 = tpu.memref_slice %arg6[%dma_start3A_228, %dma_start3A_229] : memref<200x64xf32, #tpu.memory_space<vmem>> -> memref<72x64xf32, #tpu.memory_space<vmem>>
        %dma_start3A_231 = arith.constant 128 : i32
        %dma_start3A_232 = tpu.memref_slice %arg5[%sub3A_218, %dma_start3A_231] : memref<128x200xi32, #tpu.memory_space<vmem>> -> memref<1x72xi32, #tpu.memory_space<vmem>>
        %dma_start3A_233 = tpu.memref_squeeze %dma_start3A_232 : memref<1x72xi32, #tpu.memory_space<vmem>> -> memref<72xi32, #tpu.memory_space<vmem>>
        %dma_start3A_234 = arith.constant 0 : i32
        %dma_start3A_235 = arith.constant 0 : i32
        %dma_start3A_236 = tpu.memref_slice %arg3[%dma_start3A_234, %dma_start3A_235] : memref<1000000x64xf32, #tpu.memory_space<hbm>> -> memref<1000000x64xf32, #tpu.memory_space<hbm>>
        tpu.enqueue_indirect_dma source(%dma_start3A_236 : memref<1000000x64xf32, #tpu.memory_space<hbm>>) target(%dma_start3A_230 : memref<72x64xf32, #tpu.memory_space<vmem>>) offsets(%dma_start3A_233 : memref<72xi32, #tpu.memory_space<vmem>>) semaphore(%arg10 : memref<!tpu.dma_semaphore, #tpu.memory_space<semaphore_mem>>)
      } else {
      }
      %dma_wait3A_140 = arith.constant 0 : i32
      %dma_wait3A_141 = arith.constant 0 : i32
      %dma_wait3A_142 = tpu.memref_slice %arg3[%dma_wait3A_140, %dma_wait3A_141] : memref<1000000x64xf32, #tpu.memory_space<hbm>> -> memref<200x64xf32, #tpu.memory_space<hbm>>
      %dma_wait3A_143 = arith.constant 0 : i32
      %dma_wait3A_144 = arith.constant 0 : i32
      %dma_wait3A_145 = tpu.memref_slice %arg3[%dma_wait3A_143, %dma_wait3A_144] : memref<1000000x64xf32, #tpu.memory_space<hbm>> -> memref<200x64xf32, #tpu.memory_space<hbm>>
      tpu.wait_dma2 semaphore(%arg11 : memref<!tpu.dma_semaphore, #tpu.memory_space<semaphore_mem>>) src(%dma_wait3A_145 : memref<200x64xf32, #tpu.memory_space<hbm>>) dst(%arg7 : memref<200x64xf32, #tpu.memory_space<vmem>>)
      %add3A_146 = arith.addi %mul3A_2, %add3A_130 : i32
      %dma_start3A_147 = arith.constant 0 : i32
      %dma_start3A_148 = arith.constant 0 : i32
      %dma_start3A_149 = tpu.memref_slice %arg4[%add3A_146, %dma_start3A_147, %dma_start3A_148] : memref<4096x200x64xf32, #tpu.memory_space<hbm>> -> memref<1x200x64xf32, #tpu.memory_space<hbm>>
      %dma_start3A_150 = tpu.memref_squeeze %dma_start3A_149 : memref<1x200x64xf32, #tpu.memory_space<hbm>> -> memref<200x64xf32, #tpu.memory_space<hbm>>
      %dma_start3A_151 = arith.constant 0 : i32
      %dma_start3A_152 = arith.constant 0 : i32
      %dma_start3A_153 = tpu.memref_slice %arg4[%add3A_146, %dma_start3A_151, %dma_start3A_152] : memref<4096x200x64xf32, #tpu.memory_space<hbm>> -> memref<1x200x64xf32, #tpu.memory_space<hbm>>
      %dma_start3A_154 = tpu.memref_squeeze %dma_start3A_153 : memref<1x200x64xf32, #tpu.memory_space<hbm>> -> memref<200x64xf32, #tpu.memory_space<hbm>>
      tpu.enqueue_dma source(%arg7 : memref<200x64xf32, #tpu.memory_space<vmem>>) target(%dma_start3A_154 : memref<200x64xf32, #tpu.memory_space<hbm>>) target_semaphore(%arg15 : memref<!tpu.dma_semaphore, #tpu.memory_space<semaphore_mem>>)
      %mul3A_155 = arith.constant 4 : i32
      %mul3A_156 = arith.muli %scan3A_102, %mul3A_155 : i32
      %add3A_157 = arith.constant 2 : i32
      %add3A_158 = arith.addi %mul3A_156, %add3A_157 : i32
      %add3A_159 = arith.constant 4 : i32
      %add3A_160 = arith.addi %add3A_158, %add3A_159 : i32
      %sub3A_161 = arith.constant 1 : i32
      %sub3A_162 = arith.subi %add3A_160, %sub3A_161 : i32
      %lt3A_163 = arith.constant 128 : i32
      %lt3A_164 = arith.cmpi slt, %sub3A_162, %lt3A_163 : i32
      %convert_element_type3A_165 = arith.extui %lt3A_164 : i1 to i32
      %cond3A_166 = arith.constant 0 : i32
      %cond3A_167 = arith.cmpi ne, %convert_element_type3A_165, %cond3A_166 : i32
      scf.if %cond3A_167 {
        %ge3A = arith.constant 1 : i32
        %ge3A_211 = arith.cmpi sge, %add3A_158, %ge3A : i32
        %convert_element_type3A_212 = arith.extui %ge3A_211 : i1 to i32
        %cond3A_213 = arith.constant 0 : i32
        %cond3A_214 = arith.cmpi ne, %convert_element_type3A_212, %cond3A_213 : i32
        scf.if %cond3A_214 {
          %dma_wait3A_237 = arith.constant 0 : i32
          %dma_wait3A_238 = arith.constant 0 : i32
          %dma_wait3A_239 = arith.constant 0 : i32
          %dma_wait3A_240 = tpu.memref_slice %arg4[%dma_wait3A_237, %dma_wait3A_238, %dma_wait3A_239] : memref<4096x200x64xf32, #tpu.memory_space<hbm>> -> memref<1x200x64xf32, #tpu.memory_space<hbm>>
          %dma_wait3A_241 = tpu.memref_squeeze %dma_wait3A_240 : memref<1x200x64xf32, #tpu.memory_space<hbm>> -> memref<200x64xf32, #tpu.memory_space<hbm>>
          %dma_wait3A_242 = arith.constant 0 : i32
          %dma_wait3A_243 = arith.constant 0 : i32
          %dma_wait3A_244 = tpu.memref_slice %arg4[%dma_wait3A_237, %dma_wait3A_242, %dma_wait3A_243] : memref<4096x200x64xf32, #tpu.memory_space<hbm>> -> memref<1x200x64xf32, #tpu.memory_space<hbm>>
          %dma_wait3A_245 = tpu.memref_squeeze %dma_wait3A_244 : memref<1x200x64xf32, #tpu.memory_space<hbm>> -> memref<200x64xf32, #tpu.memory_space<hbm>>
          tpu.wait_dma2 semaphore(%arg15 : memref<!tpu.dma_semaphore, #tpu.memory_space<semaphore_mem>>) src(%arg7 : memref<200x64xf32, #tpu.memory_space<vmem>>) dst(%dma_wait3A_245 : memref<200x64xf32, #tpu.memory_space<hbm>>)
        } else {
        }
        %add3A_215 = arith.constant 4 : i32
        %add3A_216 = arith.addi %add3A_158, %add3A_215 : i32
        %sub3A_217 = arith.constant 1 : i32
        %sub3A_218 = arith.subi %add3A_216, %sub3A_217 : i32
        %dma_start3A_219 = arith.constant 0 : i32
        %dma_start3A_220 = arith.constant 0 : i32
        %dma_start3A_221 = tpu.memref_slice %arg7[%dma_start3A_219, %dma_start3A_220] : memref<200x64xf32, #tpu.memory_space<vmem>> -> memref<128x64xf32, #tpu.memory_space<vmem>>
        %dma_start3A_222 = arith.constant 0 : i32
        %dma_start3A_223 = tpu.memref_slice %arg5[%sub3A_218, %dma_start3A_222] : memref<128x200xi32, #tpu.memory_space<vmem>> -> memref<1x128xi32, #tpu.memory_space<vmem>>
        %dma_start3A_224 = tpu.memref_squeeze %dma_start3A_223 : memref<1x128xi32, #tpu.memory_space<vmem>> -> memref<128xi32, #tpu.memory_space<vmem>>
        %dma_start3A_225 = arith.constant 0 : i32
        %dma_start3A_226 = arith.constant 0 : i32
        %dma_start3A_227 = tpu.memref_slice %arg3[%dma_start3A_225, %dma_start3A_226] : memref<1000000x64xf32, #tpu.memory_space<hbm>> -> memref<1000000x64xf32, #tpu.memory_space<hbm>>
        tpu.enqueue_indirect_dma source(%dma_start3A_227 : memref<1000000x64xf32, #tpu.memory_space<hbm>>) target(%dma_start3A_221 : memref<128x64xf32, #tpu.memory_space<vmem>>) offsets(%dma_start3A_224 : memref<128xi32, #tpu.memory_space<vmem>>) semaphore(%arg11 : memref<!tpu.dma_semaphore, #tpu.memory_space<semaphore_mem>>)
        %dma_start3A_228 = arith.constant 128 : i32
        %dma_start3A_229 = arith.constant 0 : i32
        %dma_start3A_230 = tpu.memref_slice %arg7[%dma_start3A_228, %dma_start3A_229] : memref<200x64xf32, #tpu.memory_space<vmem>> -> memref<72x64xf32, #tpu.memory_space<vmem>>
        %dma_start3A_231 = arith.constant 128 : i32
        %dma_start3A_232 = tpu.memref_slice %arg5[%sub3A_218, %dma_start3A_231] : memref<128x200xi32, #tpu.memory_space<vmem>> -> memref<1x72xi32, #tpu.memory_space<vmem>>
        %dma_start3A_233 = tpu.memref_squeeze %dma_start3A_232 : memref<1x72xi32, #tpu.memory_space<vmem>> -> memref<72xi32, #tpu.memory_space<vmem>>
        %dma_start3A_234 = arith.constant 0 : i32
        %dma_start3A_235 = arith.constant 0 : i32
        %dma_start3A_236 = tpu.memref_slice %arg3[%dma_start3A_234, %dma_start3A_235] : memref<1000000x64xf32, #tpu.memory_space<hbm>> -> memref<1000000x64xf32, #tpu.memory_space<hbm>>
        tpu.enqueue_indirect_dma source(%dma_start3A_236 : memref<1000000x64xf32, #tpu.memory_space<hbm>>) target(%dma_start3A_230 : memref<72x64xf32, #tpu.memory_space<vmem>>) offsets(%dma_start3A_233 : memref<72xi32, #tpu.memory_space<vmem>>) semaphore(%arg11 : memref<!tpu.dma_semaphore, #tpu.memory_space<semaphore_mem>>)
      } else {
      }
      %dma_wait3A_168 = arith.constant 0 : i32
      %dma_wait3A_169 = arith.constant 0 : i32
      %dma_wait3A_170 = tpu.memref_slice %arg3[%dma_wait3A_168, %dma_wait3A_169] : memref<1000000x64xf32, #tpu.memory_space<hbm>> -> memref<200x64xf32, #tpu.memory_space<hbm>>
      %dma_wait3A_171 = arith.constant 0 : i32
      %dma_wait3A_172 = arith.constant 0 : i32
      %dma_wait3A_173 = tpu.memref_slice %arg3[%dma_wait3A_171, %dma_wait3A_172] : memref<1000000x64xf32, #tpu.memory_space<hbm>> -> memref<200x64xf32, #tpu.memory_space<hbm>>
      tpu.wait_dma2 semaphore(%arg12 : memref<!tpu.dma_semaphore, #tpu.memory_space<semaphore_mem>>) src(%dma_wait3A_173 : memref<200x64xf32, #tpu.memory_space<hbm>>) dst(%arg8 : memref<200x64xf32, #tpu.memory_space<vmem>>)
      %add3A_174 = arith.addi %mul3A_2, %add3A_158 : i32
      %dma_start3A_175 = arith.constant 0 : i32
      %dma_start3A_176 = arith.constant 0 : i32
      %dma_start3A_177 = tpu.memref_slice %arg4[%add3A_174, %dma_start3A_175, %dma_start3A_176] : memref<4096x200x64xf32, #tpu.memory_space<hbm>> -> memref<1x200x64xf32, #tpu.memory_space<hbm>>
      %dma_start3A_178 = tpu.memref_squeeze %dma_start3A_177 : memref<1x200x64xf32, #tpu.memory_space<hbm>> -> memref<200x64xf32, #tpu.memory_space<hbm>>
      %dma_start3A_179 = arith.constant 0 : i32
      %dma_start3A_180 = arith.constant 0 : i32
      %dma_start3A_181 = tpu.memref_slice %arg4[%add3A_174, %dma_start3A_179, %dma_start3A_180] : memref<4096x200x64xf32, #tpu.memory_space<hbm>> -> memref<1x200x64xf32, #tpu.memory_space<hbm>>
      %dma_start3A_182 = tpu.memref_squeeze %dma_start3A_181 : memref<1x200x64xf32, #tpu.memory_space<hbm>> -> memref<200x64xf32, #tpu.memory_space<hbm>>
      tpu.enqueue_dma source(%arg8 : memref<200x64xf32, #tpu.memory_space<vmem>>) target(%dma_start3A_182 : memref<200x64xf32, #tpu.memory_space<hbm>>) target_semaphore(%arg16 : memref<!tpu.dma_semaphore, #tpu.memory_space<semaphore_mem>>)
      %mul3A_183 = arith.constant 4 : i32
      %mul3A_184 = arith.muli %scan3A_102, %mul3A_183 : i32
      %add3A_185 = arith.constant 3 : i32
      %add3A_186 = arith.addi %mul3A_184, %add3A_185 : i32
      %add3A_187 = arith.constant 4 : i32
      %add3A_188 = arith.addi %add3A_186, %add3A_187 : i32
      %sub3A_189 = arith.constant 1 : i32
      %sub3A_190 = arith.subi %add3A_188, %sub3A_189 : i32
      %lt3A_191 = arith.constant 128 : i32
      %lt3A_192 = arith.cmpi slt, %sub3A_190, %lt3A_191 : i32
      %convert_element_type3A_193 = arith.extui %lt3A_192 : i1 to i32
      %cond3A_194 = arith.constant 0 : i32
      %cond3A_195 = arith.cmpi ne, %convert_element_type3A_193, %cond3A_194 : i32
      scf.if %cond3A_195 {
        %ge3A = arith.constant 1 : i32
        %ge3A_211 = arith.cmpi sge, %add3A_186, %ge3A : i32
        %convert_element_type3A_212 = arith.extui %ge3A_211 : i1 to i32
        %cond3A_213 = arith.constant 0 : i32
        %cond3A_214 = arith.cmpi ne, %convert_element_type3A_212, %cond3A_213 : i32
        scf.if %cond3A_214 {
          %dma_wait3A_237 = arith.constant 0 : i32
          %dma_wait3A_238 = arith.constant 0 : i32
          %dma_wait3A_239 = arith.constant 0 : i32
          %dma_wait3A_240 = tpu.memref_slice %arg4[%dma_wait3A_237, %dma_wait3A_238, %dma_wait3A_239] : memref<4096x200x64xf32, #tpu.memory_space<hbm>> -> memref<1x200x64xf32, #tpu.memory_space<hbm>>
          %dma_wait3A_241 = tpu.memref_squeeze %dma_wait3A_240 : memref<1x200x64xf32, #tpu.memory_space<hbm>> -> memref<200x64xf32, #tpu.memory_space<hbm>>
          %dma_wait3A_242 = arith.constant 0 : i32
          %dma_wait3A_243 = arith.constant 0 : i32
          %dma_wait3A_244 = tpu.memref_slice %arg4[%dma_wait3A_237, %dma_wait3A_242, %dma_wait3A_243] : memref<4096x200x64xf32, #tpu.memory_space<hbm>> -> memref<1x200x64xf32, #tpu.memory_space<hbm>>
          %dma_wait3A_245 = tpu.memref_squeeze %dma_wait3A_244 : memref<1x200x64xf32, #tpu.memory_space<hbm>> -> memref<200x64xf32, #tpu.memory_space<hbm>>
          tpu.wait_dma2 semaphore(%arg16 : memref<!tpu.dma_semaphore, #tpu.memory_space<semaphore_mem>>) src(%arg8 : memref<200x64xf32, #tpu.memory_space<vmem>>) dst(%dma_wait3A_245 : memref<200x64xf32, #tpu.memory_space<hbm>>)
        } else {
        }
        %add3A_215 = arith.constant 4 : i32
        %add3A_216 = arith.addi %add3A_186, %add3A_215 : i32
        %sub3A_217 = arith.constant 1 : i32
        %sub3A_218 = arith.subi %add3A_216, %sub3A_217 : i32
        %dma_start3A_219 = arith.constant 0 : i32
        %dma_start3A_220 = arith.constant 0 : i32
        %dma_start3A_221 = tpu.memref_slice %arg8[%dma_start3A_219, %dma_start3A_220] : memref<200x64xf32, #tpu.memory_space<vmem>> -> memref<128x64xf32, #tpu.memory_space<vmem>>
        %dma_start3A_222 = arith.constant 0 : i32
        %dma_start3A_223 = tpu.memref_slice %arg5[%sub3A_218, %dma_start3A_222] : memref<128x200xi32, #tpu.memory_space<vmem>> -> memref<1x128xi32, #tpu.memory_space<vmem>>
        %dma_start3A_224 = tpu.memref_squeeze %dma_start3A_223 : memref<1x128xi32, #tpu.memory_space<vmem>> -> memref<128xi32, #tpu.memory_space<vmem>>
        %dma_start3A_225 = arith.constant 0 : i32
        %dma_start3A_226 = arith.constant 0 : i32
        %dma_start3A_227 = tpu.memref_slice %arg3[%dma_start3A_225, %dma_start3A_226] : memref<1000000x64xf32, #tpu.memory_space<hbm>> -> memref<1000000x64xf32, #tpu.memory_space<hbm>>
        tpu.enqueue_indirect_dma source(%dma_start3A_227 : memref<1000000x64xf32, #tpu.memory_space<hbm>>) target(%dma_start3A_221 : memref<128x64xf32, #tpu.memory_space<vmem>>) offsets(%dma_start3A_224 : memref<128xi32, #tpu.memory_space<vmem>>) semaphore(%arg12 : memref<!tpu.dma_semaphore, #tpu.memory_space<semaphore_mem>>)
        %dma_start3A_228 = arith.constant 128 : i32
        %dma_start3A_229 = arith.constant 0 : i32
        %dma_start3A_230 = tpu.memref_slice %arg8[%dma_start3A_228, %dma_start3A_229] : memref<200x64xf32, #tpu.memory_space<vmem>> -> memref<72x64xf32, #tpu.memory_space<vmem>>
        %dma_start3A_231 = arith.constant 128 : i32
        %dma_start3A_232 = tpu.memref_slice %arg5[%sub3A_218, %dma_start3A_231] : memref<128x200xi32, #tpu.memory_space<vmem>> -> memref<1x72xi32, #tpu.memory_space<vmem>>
        %dma_start3A_233 = tpu.memref_squeeze %dma_start3A_232 : memref<1x72xi32, #tpu.memory_space<vmem>> -> memref<72xi32, #tpu.memory_space<vmem>>
        %dma_start3A_234 = arith.constant 0 : i32
        %dma_start3A_235 = arith.constant 0 : i32
        %dma_start3A_236 = tpu.memref_slice %arg3[%dma_start3A_234, %dma_start3A_235] : memref<1000000x64xf32, #tpu.memory_space<hbm>> -> memref<1000000x64xf32, #tpu.memory_space<hbm>>
        tpu.enqueue_indirect_dma source(%dma_start3A_236 : memref<1000000x64xf32, #tpu.memory_space<hbm>>) target(%dma_start3A_230 : memref<72x64xf32, #tpu.memory_space<vmem>>) offsets(%dma_start3A_233 : memref<72xi32, #tpu.memory_space<vmem>>) semaphore(%arg12 : memref<!tpu.dma_semaphore, #tpu.memory_space<semaphore_mem>>)
      } else {
      }
      %dma_wait3A_196 = arith.constant 0 : i32
      %dma_wait3A_197 = arith.constant 0 : i32
      %dma_wait3A_198 = tpu.memref_slice %arg3[%dma_wait3A_196, %dma_wait3A_197] : memref<1000000x64xf32, #tpu.memory_space<hbm>> -> memref<200x64xf32, #tpu.memory_space<hbm>>
      %dma_wait3A_199 = arith.constant 0 : i32
      %dma_wait3A_200 = arith.constant 0 : i32
      %dma_wait3A_201 = tpu.memref_slice %arg3[%dma_wait3A_199, %dma_wait3A_200] : memref<1000000x64xf32, #tpu.memory_space<hbm>> -> memref<200x64xf32, #tpu.memory_space<hbm>>
      tpu.wait_dma2 semaphore(%arg13 : memref<!tpu.dma_semaphore, #tpu.memory_space<semaphore_mem>>) src(%dma_wait3A_201 : memref<200x64xf32, #tpu.memory_space<hbm>>) dst(%arg9 : memref<200x64xf32, #tpu.memory_space<vmem>>)
      %add3A_202 = arith.addi %mul3A_2, %add3A_186 : i32
      %dma_start3A_203 = arith.constant 0 : i32
      %dma_start3A_204 = arith.constant 0 : i32
      %dma_start3A_205 = tpu.memref_slice %arg4[%add3A_202, %dma_start3A_203, %dma_start3A_204] : memref<4096x200x64xf32, #tpu.memory_space<hbm>> -> memref<1x200x64xf32, #tpu.memory_space<hbm>>
      %dma_start3A_206 = tpu.memref_squeeze %dma_start3A_205 : memref<1x200x64xf32, #tpu.memory_space<hbm>> -> memref<200x64xf32, #tpu.memory_space<hbm>>
      %dma_start3A_207 = arith.constant 0 : i32
      %dma_start3A_208 = arith.constant 0 : i32
      %dma_start3A_209 = tpu.memref_slice %arg4[%add3A_202, %dma_start3A_207, %dma_start3A_208] : memref<4096x200x64xf32, #tpu.memory_space<hbm>> -> memref<1x200x64xf32, #tpu.memory_space<hbm>>
      %dma_start3A_210 = tpu.memref_squeeze %dma_start3A_209 : memref<1x200x64xf32, #tpu.memory_space<hbm>> -> memref<200x64xf32, #tpu.memory_space<hbm>>
      tpu.enqueue_dma source(%arg9 : memref<200x64xf32, #tpu.memory_space<vmem>>) target(%dma_start3A_210 : memref<200x64xf32, #tpu.memory_space<hbm>>) target_semaphore(%arg17 : memref<!tpu.dma_semaphore, #tpu.memory_space<semaphore_mem>>)
    }
    %scan3A_66 = arith.constant 32 : i32
    %dma_wait3A = arith.constant 0 : i32
    %dma_wait3A_67 = arith.constant 0 : i32
    %dma_wait3A_68 = arith.constant 0 : i32
    %dma_wait3A_69 = tpu.memref_slice %arg4[%dma_wait3A, %dma_wait3A_67, %dma_wait3A_68] : memref<4096x200x64xf32, #tpu.memory_space<hbm>> -> memref<1x200x64xf32, #tpu.memory_space<hbm>>
    %dma_wait3A_70 = tpu.memref_squeeze %dma_wait3A_69 : memref<1x200x64xf32, #tpu.memory_space<hbm>> -> memref<200x64xf32, #tpu.memory_space<hbm>>
    %dma_wait3A_71 = arith.constant 0 : i32
    %dma_wait3A_72 = arith.constant 0 : i32
    %dma_wait3A_73 = tpu.memref_slice %arg4[%dma_wait3A, %dma_wait3A_71, %dma_wait3A_72] : memref<4096x200x64xf32, #tpu.memory_space<hbm>> -> memref<1x200x64xf32, #tpu.memory_space<hbm>>
    %dma_wait3A_74 = tpu.memref_squeeze %dma_wait3A_73 : memref<1x200x64xf32, #tpu.memory_space<hbm>> -> memref<200x64xf32, #tpu.memory_space<hbm>>
    tpu.wait_dma2 semaphore(%arg14 : memref<!tpu.dma_semaphore, #tpu.memory_space<semaphore_mem>>) src(%arg6 : memref<200x64xf32, #tpu.memory_space<vmem>>) dst(%dma_wait3A_74 : memref<200x64xf32, #tpu.memory_space<hbm>>)
    %dma_wait3A_75 = arith.constant 0 : i32
    %dma_wait3A_76 = arith.constant 0 : i32
    %dma_wait3A_77 = arith.constant 0 : i32
    %dma_wait3A_78 = tpu.memref_slice %arg4[%dma_wait3A_75, %dma_wait3A_76, %dma_wait3A_77] : memref<4096x200x64xf32, #tpu.memory_space<hbm>> -> memref<1x200x64xf32, #tpu.memory_space<hbm>>
    %dma_wait3A_79 = tpu.memref_squeeze %dma_wait3A_78 : memref<1x200x64xf32, #tpu.memory_space<hbm>> -> memref<200x64xf32, #tpu.memory_space<hbm>>
    %dma_wait3A_80 = arith.constant 0 : i32
    %dma_wait3A_81 = arith.constant 0 : i32
    %dma_wait3A_82 = tpu.memref_slice %arg4[%dma_wait3A_75, %dma_wait3A_80, %dma_wait3A_81] : memref<4096x200x64xf32, #tpu.memory_space<hbm>> -> memref<1x200x64xf32, #tpu.memory_space<hbm>>
    %dma_wait3A_83 = tpu.memref_squeeze %dma_wait3A_82 : memref<1x200x64xf32, #tpu.memory_space<hbm>> -> memref<200x64xf32, #tpu.memory_space<hbm>>
    tpu.wait_dma2 semaphore(%arg15 : memref<!tpu.dma_semaphore, #tpu.memory_space<semaphore_mem>>) src(%arg7 : memref<200x64xf32, #tpu.memory_space<vmem>>) dst(%dma_wait3A_83 : memref<200x64xf32, #tpu.memory_space<hbm>>)
    %dma_wait3A_84 = arith.constant 0 : i32
    %dma_wait3A_85 = arith.constant 0 : i32
    %dma_wait3A_86 = arith.constant 0 : i32
    %dma_wait3A_87 = tpu.memref_slice %arg4[%dma_wait3A_84, %dma_wait3A_85, %dma_wait3A_86] : memref<4096x200x64xf32, #tpu.memory_space<hbm>> -> memref<1x200x64xf32, #tpu.memory_space<hbm>>
    %dma_wait3A_88 = tpu.memref_squeeze %dma_wait3A_87 : memref<1x200x64xf32, #tpu.memory_space<hbm>> -> memref<200x64xf32, #tpu.memory_space<hbm>>
    %dma_wait3A_89 = arith.constant 0 : i32
    %dma_wait3A_90 = arith.constant 0 : i32
    %dma_wait3A_91 = tpu.memref_slice %arg4[%dma_wait3A_84, %dma_wait3A_89, %dma_wait3A_90] : memref<4096x200x64xf32, #tpu.memory_space<hbm>> -> memref<1x200x64xf32, #tpu.memory_space<hbm>>
    %dma_wait3A_92 = tpu.memref_squeeze %dma_wait3A_91 : memref<1x200x64xf32, #tpu.memory_space<hbm>> -> memref<200x64xf32, #tpu.memory_space<hbm>>
    tpu.wait_dma2 semaphore(%arg16 : memref<!tpu.dma_semaphore, #tpu.memory_space<semaphore_mem>>) src(%arg8 : memref<200x64xf32, #tpu.memory_space<vmem>>) dst(%dma_wait3A_92 : memref<200x64xf32, #tpu.memory_space<hbm>>)
    %dma_wait3A_93 = arith.constant 0 : i32
    %dma_wait3A_94 = arith.constant 0 : i32
    %dma_wait3A_95 = arith.constant 0 : i32
    %dma_wait3A_96 = tpu.memref_slice %arg4[%dma_wait3A_93, %dma_wait3A_94, %dma_wait3A_95] : memref<4096x200x64xf32, #tpu.memory_space<hbm>> -> memref<1x200x64xf32, #tpu.memory_space<hbm>>
    %dma_wait3A_97 = tpu.memref_squeeze %dma_wait3A_96 : memref<1x200x64xf32, #tpu.memory_space<hbm>> -> memref<200x64xf32, #tpu.memory_space<hbm>>
    %dma_wait3A_98 = arith.constant 0 : i32
    %dma_wait3A_99 = arith.constant 0 : i32
    %dma_wait3A_100 = tpu.memref_slice %arg4[%dma_wait3A_93, %dma_wait3A_98, %dma_wait3A_99] : memref<4096x200x64xf32, #tpu.memory_space<hbm>> -> memref<1x200x64xf32, #tpu.memory_space<hbm>>
    %dma_wait3A_101 = tpu.memref_squeeze %dma_wait3A_100 : memref<1x200x64xf32, #tpu.memory_space<hbm>> -> memref<200x64xf32, #tpu.memory_space<hbm>>
    tpu.wait_dma2 semaphore(%arg17 : memref<!tpu.dma_semaphore, #tpu.memory_space<semaphore_mem>>) src(%arg9 : memref<200x64xf32, #tpu.memory_space<vmem>>) dst(%dma_wait3A_101 : memref<200x64xf32, #tpu.memory_space<hbm>>)
    return
  }
}

</mosaic_0001>

<sc_bundles>
// kernel: _gather.3.cloned.1.call-start
scs
__scs_entry_jumppad:
0x0: {  	(pc) =	sbr.rel $0x88, $3  }
0x1: {  	(tag) =	ssettag $0x0;
	lr =	simm.s32 $0x1  }
0x2: {  	[smem:$0x3F9F] =	sst lr;
	_ =	strace $0xD0000000  }
0x3: {  	_ = 	snop  }
0x4: {  	_ = 	snop  }
0x5: {  	_ = 	snop  }
0x6: {  	_ = 	snop  }
0x7: {  	_ = 	snop  }
__scs_overlays_trampoline_lowered:
0x8: {  	[smem:$0x3FAE] =	sst s0  }
0x9: {  	[smem:$0x3FAF] =	sst s1  }
0xa: {  	[smem:$0x3FB0] =	sst s2  }
0xb: {  	[smem:$0x3FB1] =	sst s3  }
0xc: {  	[smem:$0x3FB2] =	sst s4  }
0xd: {  	[smem:$0x3FB3] =	sst s5  }
0xe: {  	[smem:$0x3FB4] =	sst s6  }
0xf: {  	[smem:$0x3FB5] =	sst s7  }
0x10: {  	[smem:$0x3FB6] =	sst s8  }
0x11: {  	[smem:$0x3FB7] =	sst s9;
	s0 =	simm.s32 @!p0 $0x0  }
0x12: {  	s1 =	sld [smem:$0x3F9D];
	s0 =	simm.s32 @p0 $0x1  }
0x13: {  	[smem:$0x3FB8] =	sst s0;
	s0 =	simm.s32 @!p1 $0x0  }
0x14: {  	s2 =	sld [smem:$0x3F9C];
	s0 =	simm.s32 @p1 $0x1  }
0x15: {  	[smem:$0x3FB9] =	sst s0;
	s0 =	simm.s32 @!p2 $0x0  }
0x16: {  	s3 =	sld [smem:$0x3FDB];
	s0 =	simm.s32 @p2 $0x1  }
0x17: {  	s4 =	simm.s32 $0x1BF5;
	[smem:$0x3FBB] =	sst s0  }
0x18: {  	s0 =	sld [smem:$0x3F9E];
	_ =	swait.ge [sflag:s4], $0x0  }
0x19: {  	s7 =	sld [smem:$0x3F9F]  }
0x1a: {  	s8 =	sadd.s32 $0xFFFFE003, lr  }
0x1b: {  	s9 =	sadd.s32 $0xFFFFFEF7, lr;
	s5 =	simm.s32 $0xFFFFFFFF;
	p2 =	slt.u32 s8, $0xFFFFF086  }
0x1c: {  	p1 =	slt.u32 s9, $0xF7A;
	s5 =	simm.s32 @!p2 $0x0  }
0x1d: {  	s5 =	simm.s32 @p1 $0x1;
	p0 =	seq.s32 s7, s2  }
0x1e: {  	s7 =	smul.u32 @!p0 $0xF7A, s2;
	p2 =	seq.s32 @!p0 s5, $0x0  }
0x1f: {  	s9 =	smul.u32 $0xF7A, s1;
	s8 =	simm.s32 @!p0 $0x1BF5;
	p2 =	por !p2, p0  }
0x20: {  	[sflag:s8] =	ssyncset.s32 @!p0 $0xFFFFF086;
	s6 =	sadd.s32 @!p0 s3, s7;
	s7 =	simm.s32 @!p0 $0x108  }
0x21: {  	s3 =	sadd.s32 s3, s9;
	s6 =	sadd.s32 @!p0 $0x88, s6;
	s7 =	simm.s32 @p2 $0x1082  }
0x22: {  	[simem:s7], [sflag:s8] =	dma.local @!p0 [hbm:s6], $0xF7A  }
0x23: {  	s9 =	sor.u32 $0xD0000000, s2;
	s6 =	simm.s32 $0x108;
	_ =	swait.ge @!p0 [sflag:s8], $0x0  }
0x24: {  	s3 =	sadd.s32 $0x88, s3;
	s6 =	simm.s32 @!p1 $0x1082;
	[sflag:s4] =	ssyncset.s32 $0xFFFFF086  }
0x25: {  	[simem:s6], [sflag:s4] =	dma.local [hbm:s3], $0xF7A  }
0x26: {  	[smem:$0x3F9F] =	sst s1;
	(tag) =	ssettag s2;
	_ =	strace s9  }
0x27: {  	s1 =	sld [smem:$0x3FAF]  }
0x28: {  	s2 =	sld [smem:$0x3FB0]  }
0x29: {  	s4 =	sld [smem:$0x3FB2]  }
0x2a: {  	p0 =	seq.s32 s5, $0x0;
	s5 =	sld [smem:$0x3FB3]  }
0x2b: {  	s6 =	sld [smem:$0x3FB4]  }
0x2c: {  	s7 =	sld [smem:$0x3FB5]  }
0x2d: {  	s3 =	simm.s32 $0x108;
	s8 =	sld [smem:$0x3FB6]  }
0x2e: {  	s3 =	simm.s32 @!p0 $0x1082;
	s9 =	sld [smem:$0x3FB7]  }
0x2f: {  	lr =	sadd.s32 s0, s3;
	s0 =	sld [smem:$0x3FAE]  }
0x30: {  	s3 =	sld [smem:$0x3FB1]  }
0x31: {  	[smem:$0x3FBA] =	sst s10  }
0x32: {  	s10 =	sld [smem:$0x3FB8];
	_ =	sdelay $0x3  }
0x33: {  	p0 =	seq.s32 s10, $0x1;
	s10 =	sld [smem:$0x3FBA];
	_ =	sdelay $0x3  }
0x34: {  	[smem:$0x3FBA] =	sst s10  }
0x35: {  	s10 =	sld [smem:$0x3FB9];
	_ =	sdelay $0x3  }
0x36: {  	p1 =	seq.s32 s10, $0x1;
	s10 =	sld [smem:$0x3FBA];
	_ =	sdelay $0x3  }
0x37: {  	[smem:$0x3FBA] =	sst s10  }
0x38: {  	s10 =	sld [smem:$0x3FBB]  }
0x39: {  	_ = 	snop;
	(pc) =	sbr.ind lr, $3  }
0x3a: {  	_ = 	snop  }
0x3b: {  	_ = 	snop  }
0x3c: {  	p2 =	seq.s32 s10, $0x1;
	s10 =	sld [smem:$0x3FBA]  }
0x3d: {  	_ =	shalt  }
0x3e: {  	_ =	shalt  }
0x3f: {  	_ =	shalt  }
0x40: {  	_ =	shalt  }
0x41: {  	_ =	shalt  }
0x42: {  	_ =	shalt  }
0x43: {  	_ =	shalt  }
0x44: {  	_ =	shalt  }
0x45: {  	_ =	shalt  }
0x46: {  	_ =	shalt  }
0x47: {  	_ =	shalt  }
0x48: {  	_ =	shalt  }
0x49: {  	_ =	shalt  }
0x4a: {  	_ =	shalt  }
0x4b: {  	_ =	shalt  }
0x4c: {  	_ =	shalt  }
0x4d: {  	_ =	shalt  }
0x4e: {  	_ =	shalt  }
0x4f: {  	_ =	shalt  }
0x50: {  	_ =	shalt  }
0x51: {  	_ =	shalt  }
0x52: {  	_ =	shalt  }
0x53: {  	_ =	shalt  }
0x54: {  	_ =	shalt  }
0x55: {  	_ =	shalt  }
0x56: {  	_ =	shalt  }
0x57: {  	_ =	shalt  }
0x58: {  	_ =	shalt  }
0x59: {  	_ =	shalt  }
0x5a: {  	_ =	shalt  }
0x5b: {  	_ =	shalt  }
0x5c: {  	_ =	shalt  }
0x5d: {  	_ =	shalt  }
0x5e: {  	_ =	shalt  }
0x5f: {  	_ =	shalt  }
0x60: {  	_ =	shalt  }
0x61: {  	_ =	shalt  }
0x62: {  	_ =	shalt  }
0x63: {  	_ =	shalt  }
0x64: {  	_ =	shalt  }
0x65: {  	_ =	shalt  }
0x66: {  	_ =	shalt  }
0x67: {  	_ =	shalt  }
0x68: {  	_ =	shalt  }
0x69: {  	_ =	shalt  }
0x6a: {  	_ =	shalt  }
0x6b: {  	_ =	shalt  }
0x6c: {  	_ =	shalt  }
0x6d: {  	_ =	shalt  }
0x6e: {  	_ =	shalt  }
0x6f: {  	_ =	shalt  }
0x70: {  	_ =	shalt  }
0x71: {  	_ =	shalt  }
0x72: {  	_ =	shalt  }
0x73: {  	_ =	shalt  }
0x74: {  	_ =	shalt  }
0x75: {  	_ =	shalt  }
0x76: {  	_ =	shalt  }
0x77: {  	_ =	shalt  }
0x78: {  	_ =	shalt  }
0x79: {  	_ =	shalt  }
0x7a: {  	_ =	shalt  }
0x7b: {  	_ =	shalt  }
0x7c: {  	_ =	shalt  }
0x7d: {  	_ =	shalt  }
0x7e: {  	_ =	shalt  }
0x7f: {  	_ =	shalt  }
0x80: {  	_ =	shalt  }
0x81: {  	_ =	shalt  }
0x82: {  	_ =	shalt  }
0x83: {  	_ =	shalt  }
0x84: {  	_ =	shalt  }
0x85: {  	_ =	shalt  }
0x86: {  	_ =	shalt  }
0x87: {  	_ =	shalt  }
.Lfunc_end0:
.L_simem_size_0:
called_computation.1_lowered:
.L_overlay_start_0:
0x88: {  	s2 =	sld [smem:$0x3FD9]  }
0x89: {  	s3 =	sld [smem:$0x3FFE];
	_ =	sdelay $0x1  }
0x8a: {  	s1 =	srdreg.scid  }
0x8b: {  	s0 =	sand.u32 $0x1, s1  }
0x8c: {  	s17 =	sshll.u32 s0, $0xA;
	s2 =	sadd.s32 s3, s2  }
0x8d: {  	s2 =	sadd.s32 s2, s17  }
0x8e: {  	[smem:$0x3FC6] =	sst s2  }
0x8f: {  	_ = 	snop  }
0x90: {  	s2 =	sld [smem:$0x3FD0];
	(tm) =	ssettm $0x1  }
0x91: {  	s18 =	sld [smem:$0x3FFB];
	_ =	sdelay $0x3  }
0x92: {  	_ =	strace s18  }
0x93: {  	s3 =	sld [smem:$0x3FFC];
	_ =	sdelay $0x3  }
0x94: {  	_ =	strace s3  }
0x95: {  	s3 =	sld [smem:$0x3FFD];
	_ =	sdelay $0x3  }
0x96: {  	_ =	strace s3  }
0x97: {  	_ =	strace $0x8FFFFFFF  }
0x98: {  	s19 =	sld [smem:$0x3FDB];
	_ =	sdelay $0x1  }
0x99: {  	s4 =	simm.s32 $_scs_section_size  }
0x9a: {  	s5 =	simm.s32 $_size__tile_overlayer_lowered;
	s6 =	simm.s32 $_tile_overlayer_lowered  }
0x9b: {  	s22 =	simm.s32 $0x1BFF;
	s21 =	sshll.u32 s6, $0x1;
	s3 =	sadd.s32 s4, s19  }
0x9c: {  	s7 =	simm.s32 $0x0;
	s20 =	sshll.u32 s5, $0x1;
	s5 =	sadd.s32 s21, s3  }
0x9d: {  	[timem:s7], [sflag:s22] =	dma.local [hbm:s5], s20  }
0x9e: {  	_ =	swait.ge [sflag:s22], s20  }
0x9f: {  	s4 =	ssub.s32 $0x0, s20;
	[sflag:s22] =	ssyncset.done $0x0  }
0xa0: {  	[sflag:s22] =	ssyncadd.s32 s4;
	_ =	sdelay $0x1  }
0xa1: {  	s23 =	simm.s32 $0x1B8B  }
0xa2: {  	_ =	swait.ge [sflag:s23], $0x1  }
0xa3: {  	[sflag:s23] =	ssyncset.done $0x0  }
0xa4: {  	s25 =	simm.s32 $0x1B8E;
	s24 =	sld [smem:$0x3FFE];
	[sflag:s23] =	ssyncadd.s32 $0xFFFFFFFF  }
0xa5: {  	s26 =	simm.s32 $execute0_lowered;
	[smem:$0x3FD2] =	sst s25  }
0xa6: {  	s5 =	sshll.u32 s26, $0x1;
	_ =	strace $0x80000046;
	[dreg:$0x1] =	wrdreg $0xFFFFFFFF  }
0xa7: {  	s28 =	simm.s32 $_size_execute0_lowered;
	s3 =	sadd.s32 s3, s5;
	[dreg:$0x0] =	wrdreg $0x0  }
0xa8: {  	s5 =	sshll.u32 s28, $0x1;
	[dreg:$0x2] =	wrdreg s3  }
0xa9: {  	[dreg:$0x3] =	wrdreg s5  }
0xaa: {  	[dreg:$0x4] =	wrdreg $0xC0  }
0xab: {  	_ =	task [dreg:s7], $0x5FFFF  }
0xac: {  	[dreg:$0x1] =	wrdreg $0xFFFFFFFF  }
0xad: {  	[dreg:$0x0] =	wrdreg $0x60  }
0xae: {  	[dreg:$0x2] =	wrdreg s24  }
0xaf: {  	[dreg:$0x3] =	wrdreg s2  }
0xb0: {  	[dreg:$0x4] =	wrdreg $0x9  }
0xb1: {  	_ =	task.clear_ibuf [dreg:s7], $0x5FFFF;
	_ =	strace $0x90000046  }
0xb2: {  	s29 =	simm.s32 $0x9;
	_ =	strace $0x80000048  }
0xb3: {  	_ =	swait.ge [sflag:s29], $0x1  }
0xb4: {  	[sflag:s29] =	ssyncadd.s32 $0xFFFFFFFF  }
0xb5: {  	_ =	strace $0x90000048  }
0xb6: {  	_ =	sfence  }
0xb7: {  	s30 =	sld [smem:$0x0];
	_ =	sdelay $0x2  }
0xb8: {  	s31 =	sshll.u32 s1, $0xD;
	s1 =	sshrl.u32 s1, $0x2  }
0xb9: {  	s3 =	sand.u32 $0x4000, s31;
	s1 =	sadd.s32 s1, s30  }
0xba: {  	s0 =	sor.u32 s3, s0;
	s1 =	sshll.u32 s1, $0x11  }
0xbb: {  	s0 =	sor.u32 s1, s0  }
0xbc: {  	s0 =	sadd.s32 $0x8F2B, s0  }
0xbd: {  	[sflag:s0] =	ssyncadd.remote.s32 $0x1  }
0xbe: {  	_ =	sfence.sel $0xFFFF  }
0xbf: {  	[dreg:$0x0] =	wrdreg $0xFFFFFFFF;
	(pc) =	sbr.abs _section_cstart, $3  }
0xc0: {  	[dreg:$0x1] =	wrdreg $0xFFFFFFFF  }
0xc1: {  	_ =	task.clear_ibuf [dreg:s7], $0x2FFFF;
	_ =	strace $0x9FFFFFFF  }
0xc2: {  	(tm) =	ssettm $0x7FFFFFFF  }
0xc3: {  	_ =	shalt  }
tec
execute0_lowered:
.L_overlay_start_1:
0x0: {  	(tag) =	ssettag $0x1  }
0x1: {  	s0 =	srdreg.scid;
	s1 =	rddreg [dreg:$0x0]  }
0x2: {  	s9 =	stileid.u32;
	s6 =	rddreg [dreg:$0x1]  }
0x3: {  	s10 =	simm.s32 $0x48;
	s31 =	simm.s32 $0x11A00;
	s20 =	simm.s32 $0xFA00  }
0x4: {  	s21 =	simm.s32 $0x1;
	s22 =	simm.s32 $0x4;
	s23 =	simm.s32 $0x5  }
0x5: {  	s28 =	simm.s32 $0x0;
	s0 =	sand.u32 $0x1, s0;
	s2 =	sshll.u32 s9, $0x8  }
0x6: {  	s26 =	smul.u32 $0x64000, s9;
	s9 =	simm.s32 $0x6400;
	s3 =	sshll.u32 s0, $0x7  }
0x7: {  	s5 =	ssub.s32 $0x2, s0;
	s0 =	smul.u32 $0x32000, s0;
	s3 =	sor.u32 s3, s2  }
0x8: {  	s2 =	simm.s32 $0x0;
	s8 =	sshrl.u32 s5, $0x1;
	s30 =	sadd.s32 s26, s6  }
0x9: {  	s26 =	simm.s32 $0x8;
	s4 =	smul.u32 $0x19, s3;
	[smem:$0x7FF] =	sst s2  }
0xa: {  	s7 =	smul.u32 $0x640, s3;
	s3 =	sadd.s32 $0xF42E00, s1;
	s24 =	ssub.s32 s5, s8  }
0xb: {  	s8 =	simm.s32 $0x80;
	_ =	strace $0x80000047;
	s5 =	smax.u32 s24, $0x1  }
0xc: {  	[dreg:$0x3] =	wrdreg s31;
	s24 =	simm.s32 $0x6;
	s25 =	sadd.s32 s6, s7  }
0xd: {  	s4 =	sadd.s32 s4, s1;
	s6 =	sadd.s32 s0, s30;
	s7 =	sadd.s32 $0x31380, s25  }
0xe: {  	s4 =	sadd.s32 $0xA00, s4;
	s29 =	sadd.s32 $0x30D40, s25;
	[dreg:$0x5] =	wrdreg s7  }
0xf: {  	s25 =	simm.s32 $0x7;
	[dreg:$0x4] =	wrdreg s29;
	s7 =	simm.s32 $0x9  }
.LBB2_1:
0x10: {  	[tilespmem:s2], [sflag:$0x9] =	stream.linear.gather [hbm4b:s4+s2], $0x6400, $0x38;
	[tilespmem:$0x12C00] =	vst v63  }
0x11: {  	_ =	swait.ge [sflag:s7], $0x6400  }
0x12: {  	[sflag:s7] =	ssyncset.done $0x0  }
0x13: {  	[sflag:s7] =	ssyncadd.s32 $0xFFFF9C00  }
0x14: {  	[tilespmem:s9], [sflag:$0x1] =	stream.indirect.gather [hbm4b:s3+s8], $0x40, s2, s8, $0xb8;
	[tilespmem:$0x12C00] =	vst v63  }
0x15: {  	s0 =	simm.s32 $0x8400  }
0x16: {  	[tilespmem:s0], [sflag:$0x1] =	stream.indirect.gather [hbm4b:s3+s10], $0x40, s8, s10, $0xb8;
	[tilespmem:$0x12C00] =	vst v63  }
0x17: {  	s19 =	simm.s32 $0xC8;
	s1 =	simm.s32 $0x9600  }
0x18: {  	[tilespmem:s1], [sflag:$0x2] =	stream.indirect.gather [hbm4b:s3+s8], $0x40, s19, s8, $0xb8;
	[tilespmem:$0x12C00] =	vst v63  }
0x19: {  	s11 =	simm.s32 $0x148;
	s12 =	simm.s32 $0xB600;
	p0 =	por $0x1, $0x1  }
0x1a: {  	[tilespmem:s12], [sflag:$0x2] =	stream.indirect.gather [hbm4b:s3+s10], $0x40, s11, s10, $0xb8;
	[tilespmem:$0x12C00] =	vst v63  }
0x1b: {  	s13 =	simm.s32 $0x190;
	s14 =	simm.s32 $0xC800;
	p0 =	por p0, p0  }
0x1c: {  	[tilespmem:s14], [sflag:$0x3] =	stream.indirect.gather [hbm4b:s3+s8], $0x40, s13, s8, $0xb8;
	[tilespmem:$0x12C00] =	vst v63  }
0x1d: {  	s15 =	simm.s32 $0x210;
	s16 =	simm.s32 $0xE800;
	s0 =	simm.s32 @!p0 $0x8  }
0x1e: {  	[tilespmem:s16], [sflag:$0x3] =	stream.indirect.gather [hbm4b:s3+s10], $0x40, s15, s10, $0xb8;
	[tilespmem:$0x12C00] =	vst v63  }
0x1f: {  	_ =	swait.ge @!p0 [sflag:s0], $0x3200  }
0x20: {  	[sflag:s0] =	ssyncset.done @!p0 $0x0  }
0x21: {  	s17 =	simm.s32 $0x258;
	[sflag:s0] =	ssyncadd.s32 @!p0 $0xFFFFCE00  }
0x22: {  	[tilespmem:s20], [sflag:$0x4] =	stream.indirect.gather [hbm4b:s3+s8], $0x40, s17, s8, $0xb8;
	[tilespmem:$0x12C00] =	vst v63  }
0x23: {  	s19 =	simm.s32 $0x2D8;
	s18 =	rddreg [dreg:$0x3]  }
0x24: {  	[tilespmem:s18], [sflag:$0x4] =	stream.indirect.gather [hbm4b:s3+s10], $0x40, s19, s10, $0xb8;
	[tilespmem:$0x12C00] =	vst v63  }
0x25: {  	_ =	swait.ge [sflag:s21], $0x3200  }
0x26: {  	p0 =	por $0x0, $0x0;
	[sflag:s21] =	ssyncset.done $0x0  }
0x27: {  	s0 =	simm.s32 @p0 $0x2;
	[sflag:s21] =	ssyncadd.s32 $0xFFFFCE00  }
0x28: {  	[hbm4b:s6+s2] =	stream.linear.scatter [tilespmem:s9], [sflag:$0x5], $0x3200, $0x38;
	[tilespmem:$0x12C00] =	vst v63  }
0x29: {  	_ =	swait.ge @p0 [sflag:s0], $0x3200  }
0x2a: {  	s11 =	simm.s32 @p0 $0x9600;
	s29 =	simm.s32 @p0 $0x3;
	[sflag:s0] =	ssyncset.done @p0 $0x0  }
0x2b: {  	s1 =	rddreg [dreg:$0x4];
	[sflag:s0] =	ssyncadd.s32 @p0 $0xFFFFCE00;
	s0 =	simm.s32 @p0 $0x0  }
0x2c: {  	[hbm4b:s1+s0] =	stream.linear.scatter @p0 [tilespmem:s11], [sflag:$0x6], $0x3200, $0x38;
	[tilespmem:$0x12C00] =	vst v63  }
0x2d: {  	_ =	swait.ge @p0 [sflag:s29], $0x3200  }
0x2e: {  	s11 =	simm.s32 @p0 $0xC800;
	[sflag:s29] =	ssyncset.done @p0 $0x0  }
0x2f: {  	s1 =	rddreg [dreg:$0x5];
	[sflag:s29] =	ssyncadd.s32 @p0 $0xFFFFCE00;
	s29 =	simm.s32 @!p0 $0x5  }
0x30: {  	[hbm4b:s1+s0] =	stream.linear.scatter @p0 [tilespmem:s11], [sflag:$0x7], $0x3200, $0x38;
	[tilespmem:$0x12C00] =	vst v63  }
0x31: {  	_ =	swait.ge @!p0 [sflag:s29], $0x3200  }
0x32: {  	s30 =	simm.s32 @!p0 $0x6400;
	s0 =	simm.s32 @!p0 $0x320;
	[sflag:s29] =	ssyncset.done @!p0 $0x0  }
0x33: {  	s1 =	simm.s32 @!p0 $0x3A0;
	s11 =	simm.s32 @!p0 $0x80;
	[sflag:s29] =	ssyncadd.s32 @!p0 $0xFFFFCE00  }
0x34: {  	[tilespmem:s30], [sflag:$0x1] =	stream.indirect.gather @!p0 [hbm4b:s3+s11], $0x40, s0, s11, $0xb8;
	[tilespmem:$0x12C00] =	vst v63  }
0x35: {  	s29 =	simm.s32 @!p0 $0x8400;
	s0 =	simm.s32 @!p0 $0x48;
	s30 =	simm.s32 @!p0 $0x2  }
0x36: {  	[tilespmem:s29], [sflag:$0x1] =	stream.indirect.gather @!p0 [hbm4b:s3+s0], $0x40, s1, s0, $0xb8;
	[tilespmem:$0x12C00] =	vst v63  }
0x37: {  	_ =	swait.ge @!p0 [sflag:s30], $0x3200  }
0x38: {  	s1 =	simm.s32 @!p0 $0x9600;
	[sflag:s30] =	ssyncset.done @!p0 $0x0  }
0x39: {  	s29 =	sadd.s32 @!p0 $0x640, s6;
	[sflag:s30] =	ssyncadd.s32 @!p0 $0xFFFFCE00;
	s30 =	simm.s32 @!p0 $0x0  }
0x3a: {  	[hbm4b:s29+s30] =	stream.linear.scatter @!p0 [tilespmem:s1], [sflag:$0x6], $0x3200, $0x38;
	[tilespmem:$0x12C00] =	vst v63  }
0x3b: {  	s29 =	simm.s32 @!p0 $0x6  }
0x3c: {  	_ =	swait.ge @!p0 [sflag:s29], $0x3200  }
0x3d: {  	[sflag:s29] =	ssyncset.done @!p0 $0x0  }
0x3e: {  	[sflag:s29] =	ssyncadd.s32 @!p0 $0xFFFFCE00;
	s29 =	simm.s32 @!p0 $0x3E8  }
0x3f: {  	[tilespmem:s1], [sflag:$0x2] =	stream.indirect.gather @!p0 [hbm4b:s3+s11], $0x40, s29, s11, $0xb8;
	[tilespmem:$0x12C00] =	vst v63  }
0x40: {  	s1 =	simm.s32 @!p0 $0x468;
	s29 =	simm.s32 @!p0 $0xB600  }
0x41: {  	[tilespmem:s29], [sflag:$0x2] =	stream.indirect.gather @!p0 [hbm4b:s3+s0], $0x40, s1, s0, $0xb8;
	[tilespmem:$0x12C00] =	vst v63  }
0x42: {  	s1 =	simm.s32 @!p0 $0x3  }
0x43: {  	_ =	swait.ge @!p0 [sflag:s1], $0x3200  }
0x44: {  	[sflag:s1] =	ssyncset.done @!p0 $0x0  }
0x45: {  	s29 =	sadd.s32 @!p0 $0xC80, s6;
	[sflag:s1] =	ssyncadd.s32 @!p0 $0xFFFFCE00;
	s1 =	simm.s32 @!p0 $0xC800  }
0x46: {  	[hbm4b:s29+s30] =	stream.linear.scatter @!p0 [tilespmem:s1], [sflag:$0x7], $0x3200, $0x38;
	[tilespmem:$0x12C00] =	vst v63  }
0x47: {  	s29 =	simm.s32 @!p0 $0x7  }
0x48: {  	_ =	swait.ge @!p0 [sflag:s29], $0x3200  }
0x49: {  	p1 =	por $0x0, $0x0;
	[sflag:s29] =	ssyncset.done @!p0 $0x0  }
0x4a: {  	s31 =	simm.s32 $0x1900;
	[sflag:s29] =	ssyncadd.s32 @!p0 $0xFFFFCE00;
	s29 =	simm.s32 @!p0 $0x4B0  }
0x4b: {  	[tilespmem:s1], [sflag:$0x3] =	stream.indirect.gather @!p0 [hbm4b:s3+s11], $0x40, s29, s11, $0xb8;
	[tilespmem:$0x12C00] =	vst v63  }
0x4c: {  	s30 =	simm.s32 $0xC80;
	s1 =	simm.s32 @!p0 $0x530;
	s11 =	simm.s32 @!p0 $0xE800  }
0x4d: {  	[tilespmem:s11], [sflag:$0x3] =	stream.indirect.gather @!p0 [hbm4b:s3+s0], $0x40, s1, s0, $0xb8;
	[tilespmem:$0x12C00] =	vst v63  }
0x4e: {  	s29 =	sadd.s32 $0x1900, s6;
	p0 =	por p1, p1;
	_ =	swait.ge [sflag:s22], $0x3200  }
0x4f: {  	s11 =	sadd.s32 $0x12C0, s6;
	s0 =	simm.s32 @!p0 $0x8;
	[sflag:s22] =	ssyncset.done $0x0  }
.LBB2_2:
0x50: {  	[sflag:s22] =	ssyncadd.s32 $0xFFFFCE00  }
0x51: {  	[hbm4b:s11+s2] =	stream.linear.scatter [tilespmem:s20], [sflag:$0x8], $0x3200, $0x38;
	[tilespmem:$0x12C00] =	vst v63  }
0x52: {  	_ =	swait.ge @!p0 [sflag:s0], $0x3200  }
0x53: {  	s17 =	sshra.s32 s30, $0x2;
	[sflag:s0] =	ssyncset.done @!p0 $0x0  }
0x54: {  	s18 =	sadd.s32 $0x258, s17;
	[sflag:s0] =	ssyncadd.s32 @!p0 $0xFFFFCE00  }
0x55: {  	[tilespmem:s20], [sflag:$0x4] =	stream.indirect.gather [hbm4b:s3+s8], $0x40, s18, s8, $0xb8;
	[tilespmem:$0x12C00] =	vst v63  }
0x56: {  	s19 =	sadd.s32 $0x2D8, s17;
	s13 =	rddreg [dreg:$0x3]  }
0x57: {  	[tilespmem:s13], [sflag:$0x4] =	stream.indirect.gather [hbm4b:s3+s10], $0x40, s19, s10, $0xb8;
	[tilespmem:$0x12C00] =	vst v63  }
0x58: {  	p2 =	seq.s32 s31, $0x0;
	_ =	swait.ge [sflag:s21], $0x3200  }
0x59: {  	p0 =	por p2, p2;
	p2 =	seq.s32 s30, $0x18380;
	[sflag:s21] =	ssyncset.done $0x0  }
0x5a: {  	s0 =	simm.s32 @p2 $0x2;
	[sflag:s21] =	ssyncadd.s32 $0xFFFFCE00  }
0x5b: {  	[hbm4b:s29+s2] =	stream.linear.scatter [tilespmem:s9], [sflag:$0x5], $0x3200, $0x38;
	[tilespmem:$0x12C00] =	vst v63  }
0x5c: {  	_ =	swait.ge @p2 [sflag:s0], $0x3200  }
0x5d: {  	s16 =	simm.s32 @p2 $0x0;
	s17 =	simm.s32 @p2 $0x9600;
	[sflag:s0] =	ssyncset.done @p2 $0x0  }
0x5e: {  	s18 =	simm.s32 @p2 $0x3;
	s14 =	rddreg [dreg:$0x4];
	[sflag:s0] =	ssyncadd.s32 @p2 $0xFFFFCE00  }
0x5f: {  	[hbm4b:s14+s16] =	stream.linear.scatter @p2 [tilespmem:s17], [sflag:$0x6], $0x3200, $0x38;
	[tilespmem:$0x12C00] =	vst v63  }
0x60: {  	_ =	swait.ge @p2 [sflag:s18], $0x3200  }
0x61: {  	s12 =	smov.u32 s31;
	s17 =	simm.s32 @p2 $0xC800;
	[sflag:s18] =	ssyncset.done @p2 $0x0  }
0x62: {  	s14 =	rddreg [dreg:$0x5];
	[sflag:s18] =	ssyncadd.s32 @p2 $0xFFFFCE00;
	s18 =	simm.s32 @!p2 $0x5  }
0x63: {  	[hbm4b:s14+s16] =	stream.linear.scatter @p2 [tilespmem:s17], [sflag:$0x7], $0x3200, $0x38;
	[tilespmem:$0x12C00] =	vst v63  }
0x64: {  	s11 =	sshra.s32 @!p2 s30, $0x2;
	s30 =	smov.u32 s12;
	_ =	swait.ge @!p2 [sflag:s18], $0x3200  }
0x65: {  	s12 =	sadd.s32 @!p2 $0x320, s11;
	s13 =	sadd.s32 @!p2 $0x3A0, s11;
	[sflag:s18] =	ssyncset.done @!p2 $0x0  }
0x66: {  	s14 =	simm.s32 @!p2 $0x80;
	s16 =	simm.s32 @!p2 $0x6400;
	[sflag:s18] =	ssyncadd.s32 @!p2 $0xFFFFCE00  }
0x67: {  	[tilespmem:s16], [sflag:$0x1] =	stream.indirect.gather @!p2 [hbm4b:s3+s14], $0x40, s12, s14, $0xb8;
	[tilespmem:$0x12C00] =	vst v63  }
0x68: {  	s17 =	simm.s32 @!p2 $0x48;
	s18 =	simm.s32 @!p2 $0x8400;
	s12 =	simm.s32 @!p2 $0x2  }
0x69: {  	[tilespmem:s18], [sflag:$0x1] =	stream.indirect.gather @!p2 [hbm4b:s3+s17], $0x40, s13, s17, $0xb8;
	[tilespmem:$0x12C00] =	vst v63  }
0x6a: {  	_ =	swait.ge @!p2 [sflag:s12], $0x3200  }
0x6b: {  	s16 =	sadd.s32 @!p2 $0x640, s29;
	s13 =	simm.s32 @!p2 $0x9600;
	[sflag:s12] =	ssyncset.done @!p2 $0x0  }
0x6c: {  	s18 =	simm.s32 @!p2 $0x0;
	[sflag:s12] =	ssyncadd.s32 @!p2 $0xFFFFCE00;
	s12 =	simm.s32 @!p2 $0x6  }
0x6d: {  	[hbm4b:s16+s18] =	stream.linear.scatter @!p2 [tilespmem:s13], [sflag:$0x6], $0x3200, $0x38;
	[tilespmem:$0x12C00] =	vst v63  }
0x6e: {  	_ =	swait.ge @!p2 [sflag:s12], $0x3200  }
0x6f: {  	[sflag:s12] =	ssyncset.done @!p2 $0x0  }
0x70: {  	s15 =	sadd.s32 @!p2 $0x3E8, s11;
	[sflag:s12] =	ssyncadd.s32 @!p2 $0xFFFFCE00  }
0x71: {  	[tilespmem:s13], [sflag:$0x2] =	stream.indirect.gather @!p2 [hbm4b:s3+s14], $0x40, s15, s14, $0xb8;
	[tilespmem:$0x12C00] =	vst v63  }
0x72: {  	s19 =	sadd.s32 @!p2 $0x468, s11;
	s12 =	simm.s32 @!p2 $0xB600;
	s13 =	simm.s32 @!p2 $0x3  }
0x73: {  	[tilespmem:s12], [sflag:$0x2] =	stream.indirect.gather @!p2 [hbm4b:s3+s17], $0x40, s19, s17, $0xb8;
	[tilespmem:$0x12C00] =	vst v63  }
0x74: {  	_ =	swait.ge @!p2 [sflag:s13], $0x3200  }
0x75: {  	s15 =	simm.s32 @!p2 $0xC800;
	[sflag:s13] =	ssyncset.done @!p2 $0x0  }
0x76: {  	s12 =	sadd.s32 @!p2 $0xC80, s29;
	[sflag:s13] =	ssyncadd.s32 @!p2 $0xFFFFCE00;
	s13 =	simm.s32 @!p2 $0x7  }
0x77: {  	[hbm4b:s12+s18] =	stream.linear.scatter @!p2 [tilespmem:s15], [sflag:$0x7], $0x3200, $0x38;
	[tilespmem:$0x12C00] =	vst v63  }
0x78: {  	_ =	swait.ge @!p2 [sflag:s13], $0x3200  }
0x79: {  	s31 =	sadd.s32 $0xC80, s31;
	[sflag:s13] =	ssyncset.done @!p2 $0x0  }
0x7a: {  	p1 =	sne.s32 s31, $0x19000;
	s0 =	sadd.s32 @!p2 $0x4B0, s11;
	[sflag:s13] =	ssyncadd.s32 @!p2 $0xFFFFCE00  }
0x7b: {  	[tilespmem:s15], [sflag:$0x3] =	stream.indirect.gather @!p2 [hbm4b:s3+s14], $0x40, s0, s14, $0xb8;
	[tilespmem:$0x12C00] =	vst v63  }
.Ltmp0:
0x7c: {  	_ = 	snop;
	(pc) =	sbr.rel @p1 .LBB2_2-.Ltmp0, $4  }
0x7d: {  	s11 =	sadd.s32 @!p2 $0x530, s11;
	s12 =	simm.s32 @!p2 $0xE800  }
0x7e: {  	[tilespmem:s12], [sflag:$0x3] =	stream.indirect.gather @!p2 [hbm4b:s3+s17], $0x40, s11, s17, $0xb8;
	[tilespmem:$0x12C00] =	vst v63  }
0x7f: {  	s1 =	smov.u32 s29;
	s29 =	sadd.s32 $0x1900, s29;
	_ =	swait.ge [sflag:s22], $0x3200  }
0x80: {  	s0 =	simm.s32 @!p0 $0x8;
	s11 =	sadd.s32 $0x12C0, s1;
	[sflag:s22] =	ssyncset.done $0x0  }
0x81: {  	[sflag:s22] =	ssyncadd.s32 $0xFFFFCE00  }
0x82: {  	[hbm4b:s11+s2] =	stream.linear.scatter [tilespmem:s20], [sflag:$0x8], $0x3200, $0x38;
	[tilespmem:$0x12C00] =	vst v63  }
0x83: {  	_ =	swait.ge @!p0 [sflag:s0], $0x3200  }
0x84: {  	s1 =	sshra.s32 s30, $0x2;
	[sflag:s0] =	ssyncset.done @!p0 $0x0  }
0x85: {  	s17 =	sadd.s32 $0x258, s1;
	[sflag:s0] =	ssyncadd.s32 @!p0 $0xFFFFCE00  }
0x86: {  	[tilespmem:s20], [sflag:$0x4] =	stream.indirect.gather [hbm4b:s3+s8], $0x40, s17, s8, $0xb8;
	[tilespmem:$0x12C00] =	vst v63  }
0x87: {  	s19 =	sadd.s32 $0x2D8, s1;
	s18 =	rddreg [dreg:$0x3]  }
0x88: {  	[tilespmem:s18], [sflag:$0x4] =	stream.indirect.gather [hbm4b:s3+s10], $0x40, s19, s10, $0xb8;
	[tilespmem:$0x12C00] =	vst v63  }
0x89: {  	_ =	swait.ge [sflag:s21], $0x3200  }
0x8a: {  	p0 =	seq.s32 s30, $0x18380;
	[sflag:s21] =	ssyncset.done $0x0  }
0x8b: {  	s0 =	simm.s32 @p0 $0x2;
	[sflag:s21] =	ssyncadd.s32 $0xFFFFCE00  }
0x8c: {  	[hbm4b:s29+s2] =	stream.linear.scatter [tilespmem:s9], [sflag:$0x5], $0x3200, $0x38;
	[tilespmem:$0x12C00] =	vst v63  }
0x8d: {  	_ =	swait.ge @p0 [sflag:s0], $0x3200  }
0x8e: {  	s11 =	simm.s32 @p0 $0x9600;
	s12 =	simm.s32 @p0 $0x3;
	[sflag:s0] =	ssyncset.done @p0 $0x0  }
0x8f: {  	s1 =	rddreg [dreg:$0x4];
	[sflag:s0] =	ssyncadd.s32 @p0 $0xFFFFCE00;
	s0 =	simm.s32 @p0 $0x0  }
0x90: {  	[hbm4b:s1+s0] =	stream.linear.scatter @p0 [tilespmem:s11], [sflag:$0x6], $0x3200, $0x38;
	[tilespmem:$0x12C00] =	vst v63  }
0x91: {  	_ =	swait.ge @p0 [sflag:s12], $0x3200  }
0x92: {  	s11 =	simm.s32 @p0 $0xC800;
	[sflag:s12] =	ssyncset.done @p0 $0x0  }
0x93: {  	s1 =	rddreg [dreg:$0x5];
	[sflag:s12] =	ssyncadd.s32 @p0 $0xFFFFCE00;
	s12 =	simm.s32 @!p0 $0x5  }
0x94: {  	[hbm4b:s1+s0] =	stream.linear.scatter @p0 [tilespmem:s11], [sflag:$0x7], $0x3200, $0x38;
	[tilespmem:$0x12C00] =	vst v63  }
0x95: {  	s13 =	simm.s32 @!p0 $0x80;
	_ =	swait.ge @!p0 [sflag:s12], $0x3200  }
0x96: {  	s14 =	simm.s32 @!p0 $0x6400;
	s0 =	sshra.s32 @!p0 s30, $0x2;
	[sflag:s12] =	ssyncset.done @!p0 $0x0  }
0x97: {  	s1 =	sadd.s32 @!p0 $0x320, s0;
	s11 =	sadd.s32 @!p0 $0x3A0, s0;
	[sflag:s12] =	ssyncadd.s32 @!p0 $0xFFFFCE00  }
0x98: {  	[tilespmem:s14], [sflag:$0x1] =	stream.indirect.gather @!p0 [hbm4b:s3+s13], $0x40, s1, s13, $0xb8;
	[tilespmem:$0x12C00] =	vst v63  }
0x99: {  	s12 =	simm.s32 @!p0 $0x8400;
	s1 =	simm.s32 @!p0 $0x48;
	s14 =	simm.s32 @!p0 $0x2  }
0x9a: {  	[tilespmem:s12], [sflag:$0x1] =	stream.indirect.gather @!p0 [hbm4b:s3+s1], $0x40, s11, s1, $0xb8;
	[tilespmem:$0x12C00] =	vst v63  }
0x9b: {  	_ =	swait.ge @!p0 [sflag:s14], $0x3200  }
0x9c: {  	s15 =	simm.s32 @!p0 $0x0;
	s11 =	simm.s32 @!p0 $0x9600;
	[sflag:s14] =	ssyncset.done @!p0 $0x0  }
0x9d: {  	s12 =	sadd.s32 @!p0 $0x640, s29;
	[sflag:s14] =	ssyncadd.s32 @!p0 $0xFFFFCE00;
	s14 =	simm.s32 @!p0 $0x6  }
0x9e: {  	[hbm4b:s12+s15] =	stream.linear.scatter @!p0 [tilespmem:s11], [sflag:$0x6], $0x3200, $0x38;
	[tilespmem:$0x12C00] =	vst v63  }
0x9f: {  	_ =	swait.ge @!p0 [sflag:s14], $0x3200  }
0xa0: {  	[sflag:s14] =	ssyncset.done @!p0 $0x0  }
0xa1: {  	s12 =	sadd.s32 @!p0 $0x3E8, s0;
	[sflag:s14] =	ssyncadd.s32 @!p0 $0xFFFFCE00  }
0xa2: {  	[tilespmem:s11], [sflag:$0x2] =	stream.indirect.gather @!p0 [hbm4b:s3+s13], $0x40, s12, s13, $0xb8;
	[tilespmem:$0x12C00] =	vst v63  }
0xa3: {  	s14 =	simm.s32 @!p0 $0x3;
	s11 =	sadd.s32 @!p0 $0x468, s0;
	s12 =	simm.s32 @!p0 $0xB600  }
0xa4: {  	[tilespmem:s12], [sflag:$0x2] =	stream.indirect.gather @!p0 [hbm4b:s3+s1], $0x40, s11, s1, $0xb8;
	[tilespmem:$0x12C00] =	vst v63  }
0xa5: {  	_ =	swait.ge @!p0 [sflag:s14], $0x3200  }
0xa6: {  	s11 =	sadd.s32 @!p0 $0xC80, s29;
	[sflag:s14] =	ssyncset.done @!p0 $0x0  }
0xa7: {  	s12 =	simm.s32 @!p0 $0xC800;
	[sflag:s14] =	ssyncadd.s32 @!p0 $0xFFFFCE00;
	s14 =	simm.s32 @!p0 $0x7  }
0xa8: {  	[hbm4b:s11+s15] =	stream.linear.scatter @!p0 [tilespmem:s12], [sflag:$0x7], $0x3200, $0x38;
	[tilespmem:$0x12C00] =	vst v63  }
0xa9: {  	_ =	swait.ge @!p0 [sflag:s14], $0x3200  }
0xaa: {  	[sflag:s14] =	ssyncset.done @!p0 $0x0  }
0xab: {  	s11 =	sadd.s32 @!p0 $0x4B0, s0;
	[sflag:s14] =	ssyncadd.s32 @!p0 $0xFFFFCE00  }
0xac: {  	[tilespmem:s12], [sflag:$0x3] =	stream.indirect.gather @!p0 [hbm4b:s3+s13], $0x40, s11, s13, $0xb8;
	[tilespmem:$0x12C00] =	vst v63  }
0xad: {  	s0 =	sadd.s32 @!p0 $0x530, s0;
	s11 =	simm.s32 @!p0 $0xE800  }
0xae: {  	[tilespmem:s11], [sflag:$0x3] =	stream.indirect.gather @!p0 [hbm4b:s3+s1], $0x40, s0, s1, $0xb8;
	[tilespmem:$0x12C00] =	vst v63  }
0xaf: {  	_ =	swait.ge [sflag:s22], $0x3200  }
0xb0: {  	[sflag:s22] =	ssyncset.done $0x0  }
0xb1: {  	s31 =	sadd.s32 $0x12C0, s29;
	[sflag:s22] =	ssyncadd.s32 $0xFFFFCE00  }
0xb2: {  	[hbm4b:s31+s2] =	stream.linear.scatter [tilespmem:s20], [sflag:$0x8], $0x3200, $0x38;
	[tilespmem:$0x12C00] =	vst v63  }
0xb3: {  	_ =	swait.ge [sflag:s23], $0x3200  }
0xb4: {  	[sflag:s23] =	ssyncset.done $0x0  }
0xb5: {  	[sflag:s23] =	ssyncadd.s32 $0xFFFFCE00  }
0xb6: {  	_ =	swait.ge [sflag:s24], $0x3200  }
0xb7: {  	[sflag:s24] =	ssyncset.done $0x0  }
0xb8: {  	s28 =	sadd.s32 $0x1, s28;
	[sflag:s24] =	ssyncadd.s32 $0xFFFFCE00  }
0xb9: {  	p0 =	sne.s32 s28, s5;
	_ =	swait.ge [sflag:s25], $0x3200  }
.Ltmp1:
0xba: {  	[sflag:s25] =	ssyncset.done $0x0;
	(pc) =	sbr.rel @p0 .LBB2_1-.Ltmp1, $4  }
0xbb: {  	[sflag:s25] =	ssyncadd.s32 $0xFFFFCE00  }
0xbc: {  	_ =	swait.ge [sflag:s26], $0x3200  }
0xbd: {  	[sflag:s26] =	ssyncset.done $0x0  }
0xbe: {  	[sflag:s26] =	ssyncadd.s32 $0xFFFFCE00  }
0xbf: {  	_ =	sfence.sel $0x180000  }
0xc0: {  	[bflag:$0x0] =	sbarrier.arrive $0xFFFF  }
0xc1: {  	_ =	strace $0x90000047  }
0xc2: {  	s0 =	stileid.u32;
	[bflag:$0x2] =	sbarrier.arrive $0xFFFF  }
0xc3: {  	p0 =	sne.s32 s0, $0x0;
	s0 =	rddreg [dreg:$0x2]  }
0xc4: {  	s0 =	sadd.s32 @!p0 $0x100000, s0  }
0xc5: {  	[sflag:s0] =	ssyncadd.tile.s32 @!p0 $0x1;
	_ =	shalt  }
.Lfunc_end2:
_tile_overlayer_lowered:
.L_overlay_start_2:
0xc6: {  	(tag) =	ssettag $0x2  }
0xc7: {  	s0 =	rddreg [dreg:$0x0];
	s2 =	stileid.u32  }
0xc8: {  	s1 =	rddreg [dreg:$0x1];
	p0 =	sne.s32 s2, $0x0  }
0xc9: {  	s3 =	rddreg [dreg:$0x2];
	[bflag:$0x3] =	sbarrier.arrive $0xFFFF;
	s2 =	simm.s32 @!p0 $0x1C09  }
0xca: {  	[timem:s3], [sflag:s2] =	dma.local @!p0 [hbm:s0], s1  }
0xcb: {  	s0 =	simm.s32 @!p0 $0x9  }
0xcc: {  	_ =	swait.ge @!p0 [sflag:s0], s1  }
0xcd: {  	s1 =	ssub.s32 @!p0 $0x0, s1;
	[sflag:s0] =	ssyncset.done @!p0 $0x0  }
0xce: {  	[sflag:s0] =	ssyncadd.s32 @!p0 s1  }
0xcf: {  	[bflag:$0x3] =	sbarrier.arrive $0xFFFF  }
0xd0: {  	_ =	shalt  }

// kernel: sparse-core-data-format-call.cloned.1.call-start
scs
called_computation_lowered:
.L_overlay_start_0:
0x0: {  	s2 =	sld [smem:$0x3FD9]  }
0x1: {  	s3 =	sld [smem:$0x3FFE];
	_ =	sdelay $0x1  }
0x2: {  	s1 =	srdreg.scid  }
0x3: {  	s0 =	sand.u32 $0x1, s1  }
0x4: {  	s18 =	sshll.u32 s0, $0xA;
	s2 =	sadd.s32 s3, s2  }
0x5: {  	s2 =	sadd.s32 s2, s18  }
0x6: {  	[smem:$0x3FC6] =	sst s2  }
0x7: {  	_ = 	snop  }
0x8: {  	s2 =	sld [smem:$0x3FD0];
	(tm) =	ssettm $0x1  }
0x9: {  	s19 =	sld [smem:$0x3FFB];
	_ =	sdelay $0x3  }
0xa: {  	_ =	strace s19  }
0xb: {  	s3 =	sld [smem:$0x3FFC];
	_ =	sdelay $0x3  }
0xc: {  	_ =	strace s3  }
0xd: {  	s3 =	sld [smem:$0x3FFD];
	_ =	sdelay $0x3  }
0xe: {  	_ =	strace s3  }
0xf: {  	_ =	strace $0x8FFFFFFF  }
0x10: {  	s20 =	sld [smem:$0x3FDB];
	_ =	sdelay $0x1  }
0x11: {  	s4 =	simm.s32 $_scs_section_size  }
0x12: {  	s5 =	simm.s32 $_size__tile_overlayer_lowered;
	s6 =	simm.s32 $_tile_overlayer_lowered  }
0x13: {  	s23 =	simm.s32 $0x1BFF;
	s22 =	sshll.u32 s6, $0x1;
	s3 =	sadd.s32 s4, s20  }
0x14: {  	s7 =	simm.s32 $0x0;
	s21 =	sshll.u32 s5, $0x1;
	s5 =	sadd.s32 s22, s3  }
0x15: {  	[timem:s7], [sflag:s23] =	dma.local [hbm:s5], s21  }
0x16: {  	_ =	swait.ge [sflag:s23], s21  }
0x17: {  	s4 =	ssub.s32 $0x0, s21;
	[sflag:s23] =	ssyncset.done $0x0  }
0x18: {  	[sflag:s23] =	ssyncadd.s32 s4;
	_ =	sdelay $0x1  }
0x19: {  	s24 =	simm.s32 $0x1B8B  }
0x1a: {  	_ =	swait.ge [sflag:s24], $0x1  }
0x1b: {  	[sflag:s24] =	ssyncset.done $0x0  }
0x1c: {  	s26 =	simm.s32 $0x1B8E;
	s25 =	sld [smem:$0x3FFE];
	[sflag:s24] =	ssyncadd.s32 $0xFFFFFFFF  }
0x1d: {  	s27 =	simm.s32 $execute0_lowered;
	[smem:$0x3FD2] =	sst s26  }
0x1e: {  	s5 =	sshll.u32 s27, $0x1;
	_ =	strace $0x80000049;
	[dreg:$0x1] =	wrdreg $0xFFFFFFFF  }
0x1f: {  	s28 =	simm.s32 $_size_execute0_lowered;
	s3 =	sadd.s32 s3, s5;
	[dreg:$0x0] =	wrdreg $0x0  }
0x20: {  	s5 =	sshll.u32 s28, $0x1;
	[dreg:$0x2] =	wrdreg s3  }
0x21: {  	[dreg:$0x3] =	wrdreg s5  }
0x22: {  	[dreg:$0x4] =	wrdreg $0xC0  }
0x23: {  	_ =	task [dreg:s7], $0x5FFFF  }
0x24: {  	[dreg:$0x1] =	wrdreg $0xFFFFFFFF  }
0x25: {  	[dreg:$0x0] =	wrdreg $0x60  }
0x26: {  	[dreg:$0x2] =	wrdreg s25  }
0x27: {  	[dreg:$0x3] =	wrdreg s2  }
0x28: {  	[dreg:$0x4] =	wrdreg $0x9  }
0x29: {  	_ =	task.clear_ibuf [dreg:s7], $0x5FFFF;
	_ =	strace $0x90000049  }
0x2a: {  	s29 =	simm.s32 $0x9;
	_ =	strace $0x8000004B  }
0x2b: {  	_ =	swait.ge [sflag:s29], $0x1  }
0x2c: {  	[sflag:s29] =	ssyncadd.s32 $0xFFFFFFFF  }
0x2d: {  	_ =	strace $0x9000004B  }
0x2e: {  	_ =	sfence  }
0x2f: {  	s30 =	sld [smem:$0x0];
	_ =	sdelay $0x2  }
0x30: {  	s31 =	sshll.u32 s1, $0xD;
	s1 =	sshrl.u32 s1, $0x2  }
0x31: {  	s3 =	sand.u32 $0x4000, s31;
	s1 =	sadd.s32 s1, s30  }
0x32: {  	s0 =	sor.u32 s3, s0;
	s1 =	sshll.u32 s1, $0x11  }
0x33: {  	s0 =	sor.u32 s1, s0  }
0x34: {  	s0 =	sadd.s32 $0x8F2B, s0  }
0x35: {  	[sflag:s0] =	ssyncadd.remote.s32 $0x1  }
0x36: {  	_ =	sfence.sel $0xFFFF  }
0x37: {  	[dreg:$0x0] =	wrdreg $0xFFFFFFFF;
	(pc) =	sbr.abs _section_cstart, $3  }
0x38: {  	[dreg:$0x1] =	wrdreg $0xFFFFFFFF  }
0x39: {  	_ =	task.clear_ibuf [dreg:s7], $0x2FFFF;
	_ =	strace $0x9FFFFFFF  }
0x3a: {  	(tm) =	ssettm $0x7FFFFFFF  }
0x3b: {  	_ =	shalt  }
tec
execute0_lowered:
.L_overlay_start_1:
0x0: {  	(tag) =	ssettag $0x1  }
0x1: {  	s0 =	srdreg.scid  }
0x2: {  	s1 =	sshll.u32 s0, $0x4  }
0x3: {  	s0 =	stileid.u32;
	s1 =	sand.u32 $0x10, s1  }
0x4: {  	s1 =	sor.u32 s0, s1  }
0x5: {  	s6 =	rddreg [dreg:$0x0];
	s4 =	simm.s32 $0x1;
	s2 =	sshll.u32 s1, $0x7  }
0x6: {  	s7 =	simm.s32 $0x2;
	s12 =	simm.s32 $0x0;
	s1 =	ssub.s32 $0x1000, s2  }
0x7: {  	s8 =	simm.s32 $0x8000;
	s13 =	simm.s32 $0x0;
	s3 =	sand.u32 $0xF80, s1  }
0x8: {  	s9 =	simm.s32 $0x0;
	s5 =	sshrl.u32 s1, $0xC;
	p0 =	sne.s32 s3, $0x0  }
.Ltmp0:
0x9: {  	s1 =	rddreg [dreg:$0x2];
	s4 =	simm.s32 @!p0 $0x0;
	(pc) =	sbr.rel .LBB1_1-.Ltmp0, $4  }
0xa: {  	s11 =	simm.s32 $0x0;
	s3 =	rddreg [dreg:$0x1];
	s5 =	sadd.s32 s4, s5  }
0xb: {  	_ =	strace $0x8000004A;
	s4 =	simm.s32 $0x1;
	s5 =	smul.u32 $0xC8, s5  }
0xc: {  	s6 =	sadd.s32 $0xA00, s6;
	s10 =	smov.u32 s2;
	[sflag:s4] =	ssyncpa.u1 $0x0  }
0xd: {  	p0 =	por $0x0, $0x0;
	[sflag:s7] =	ssyncpa.u1 $0x0;
	s7 =	sor.u32 $0x1, s5  }
.LBB1_4:
0xe: {  	s16 =	sshll.u32 s13, $0x3;
	s17 =	sand.u32 $0x78, s13  }
0xf: {  	s30 =	sand.u32 $0x7E00, s13;
	s12 =	sshll.u32 s12, $0xF;
	s16 =	sand.u32 $0xC00, s16  }
0x10: {  	[tilespmem:s15+$0x810 ss:$0x81] =	vst.msk $0xffff, v2;
	s31 =	sand.u32 $0x7, s13;
	s16 =	sor.u32 s17, s16;
	s17 =	sadd.s32 s3, s30  }
0x11: {  	[tilespmem:s15+$0x1020 ss:$0x81] =	vst.msk $0xffff, v0;
	s13 =	sshll.u32 s31, $0x12;
	s12 =	sadd.s32 s12, s17;
	s16 =	sshrl.u32 s16, $0x3  }
0x12: {  	[tilespmem:s15+$0x0 ss:$0x81] =	vst.msk $0xffff, v1;
	s13 =	sor.u32 $0x400, s13;
	s12 =	sadd.s32 s16, s12  }
0x13: {  	[hbm4b:s12+s13] =	stream.strided.scatter [tilespmem:s14], [sflag:$0x2], $0x2000, s8, s13, $0x20;
	[tilespmem:$0x8080] =	vst v63  }
.LBB1_5:
0x14: {  	s14 =	sadd.s32 $0x1, s9  }
0x15: {  	s12 =	sadd.s32 $0x1000, s10;
	s16 =	smov.u32 s10;
	p2 =	sgt.s32 s14, $0xC7  }
0x16: {  	s16 =	smov.u32 @p2 s12  }
0x17: {  	s14 =	simm.s32 @p2 $0x0;
	p2 =	sgt.s32 s16, $0xFFF  }
0x18: {  	s16 =	smov.u32 @p2 s2;
	p2 =	sne.s32 s11, s7  }
.Ltmp1:
0x19: {  	p1 =	slt.u32 s11, $0x2;
	(pc) =	sbr.rel @!p2 .LBB1_6-.Ltmp1, $4  }
0x1a: {  	s15 =	simm.s32 @!p1 $0x2  }
0x1b: {  	s13 =	smov.u32 s10;
	p0 =	por !p0, !p0;
	_ =	swait.ge @!p1 [sflag:s15], $0x2000  }
0x1c: {  	s12 =	smov.u32 s9;
	[sflag:s15] =	ssyncset.done @!p1 $0x0;
	s9 =	smov.u32 s14  }
0x1d: {  	s11 =	sadd.s32 $0x1, s11;
	[sflag:s15] =	ssyncadd.s32 @!p1 $0xFFFFE000;
	s10 =	smov.u32 s16  }
.LBB1_1:
0x1e: {  	p1 =	sge.u32 s11, s5  }
0x1f: {  	s14 =	sand.u32 @!p1 $0x1FFFFFF, s9  }
0x20: {  	s15 =	smulhi.u32 @!p1 $0x147AE15, s14;
	_ =	sdelay $0x1  }
0x21: {  	s15 =	smul.u32 @!p1 $0xC8, s15  }
0x22: {  	s16 =	sxor.u32 @!p1 $0xFFFFFFFF, s11;
	s17 =	smul.u32 @!p1 $0xC80, s10  }
0x23: {  	s31 =	sadd.s32 $0xFFFFFFFF, s11;
	s16 =	sshll.u32 @!p1 s16, $0xD;
	s14 =	ssub.s32 @!p1 s14, s15  }
0x24: {  	s15 =	sand.u32 @!p1 $0x2000, s16;
	s16 =	sadd.s32 @!p1 s6, s17;
	s14 =	sshll.u32 @!p1 s14, $0x4  }
0x25: {  	s17 =	simm.s32 @!p1 $0x6400;
	s14 =	sadd.s32 @!p1 s14, s16;
	s16 =	simm.s32 @!p1 $0x40  }
0x26: {  	[tilespmem:s15], [sflag:$0x1] =	stream.strided.gather @!p1 [hbm4b:s14+s16], $0x2000, s17, s16, $0x38;
	[tilespmem:$0x8080] =	vst v63  }
0x27: {  	p1 =	sge.u32 s31, s5  }
.Ltmp2:
0x28: {  	_ = 	snop;
	(pc) =	sbr.rel @p1 .LBB1_5-.Ltmp2, $1  }
0x29: {  	_ =	sdelay $0x3  }
0x2a: {  	s14 =	simm.s32 $0x1  }
0x2b: {  	_ =	swait.ge [sflag:s4], $0x2000;
	s14 =	simm.s32 @!p0 $0x0  }
0x2c: {  	[sflag:s4] =	ssyncset.done $0x0;
	s15 =	sshll.u32 s14, $0xD  }
0x2d: {  	[sflag:s4] =	ssyncadd.s32 $0xFFFFE000;
	s18 =	sor.u32 $0x20, s15  }
0x2e: {  	s14 =	smul.u32 $0x8100, s14;
	v3 =	vld [tilespmem:s18+$0x10]  }
0x2f: {  	s30 =	sand.u32 $0x1, s11;
	v2 =	vld [tilespmem:s18+$0xFFFFFFF0]  }
0x30: {  	s15 =	smul.u32 $0x8100, s30;
	s14 =	sshrl.u32 s14, $0x2;
	v0 =	vld [tilespmem:s18+$0x0]  }
0x31: {  	v1 =	vld [tilespmem:s18+$0xFFFFFFE0];
	s16 =	sor.u32 $0x4000, s14  }
0x32: {  	s31 =	sshrl.u32 s15, $0x2;
	s15 =	sadd.s32 $0x0, s16  }
0x33: {  	s17 =	simm.s32 $0x4;
	s18 =	sadd.s32 $0x40, s18;
	s14 =	sor.u32 $0x4000, s31;
	[tilespmem:s15+$0x1830 ss:$0x81] =	vst.msk $0xffff, v3  }
.LBB1_3:
0x34: {  	v3 =	vld [tilespmem:s18+$0x10];
	p1 =	sne.s32 s17, $0x1FC;
	[tilespmem:s15+$0x810 ss:$0x81] =	vst.msk $0xffff, v2;
	s19 =	smov.u32 s17;
	s17 =	sadd.s32 $0x4, s17  }
.Ltmp3:
0x35: {  	v2 =	vld [tilespmem:s18+$0xFFFFFFF0];
	[tilespmem:s15+$0x1020 ss:$0x81] =	vst.msk $0xffff, v0;
	(pc) =	sbr.rel @p1 .LBB1_3-.Ltmp3, $4  }
0x36: {  	v0 =	vld [tilespmem:s18+$0x0];
	[tilespmem:s15+$0x0 ss:$0x81] =	vst.msk $0xffff, v1  }
0x37: {  	s15 =	sshra.s32 s19, $0x2;
	v1 =	vld [tilespmem:s18+$0xFFFFFFE0]  }
0x38: {  	s15 =	sadd.s32 s15, s16  }
0x39: {  	s18 =	sadd.s32 $0x40, s18;
	[tilespmem:s15+$0x1830 ss:$0x81] =	vst.msk $0xffff, v3  }
.Ltmp4:
0x3a: {  	_ = 	snop;
	(pc) =	sbr.rel .LBB1_4-.Ltmp4, $1  }
0x3b: {  	_ =	sdelay $0x3  }
.LBB1_6:
0x3c: {  	_ =	sfence.sel $0x180000  }
0x3d: {  	s2 =	simm.s32 $0x1;
	[bflag:$0x0] =	sbarrier.arrive $0xFFFF  }
0x3e: {  	s31 =	simm.s32 $0x2;
	[sflag:s2] =	ssyncpa.u1 $0x1  }
0x3f: {  	[sflag:s31] =	ssyncpa.u1 $0x1  }
0x40: {  	p0 =	sne.s32 s0, $0x0;
	_ =	strace $0x9000004A  }
0x41: {  	s0 =	sadd.s32 @!p0 $0x100000, s1;
	[bflag:$0x2] =	sbarrier.arrive $0xFFFF  }
0x42: {  	[sflag:s0] =	ssyncadd.tile.s32 @!p0 $0x1;
	_ =	shalt  }
.Lfunc_end1:
_tile_overlayer_lowered:
.L_overlay_start_2:
0x43: {  	(tag) =	ssettag $0x2  }
0x44: {  	s0 =	rddreg [dreg:$0x0];
	s2 =	stileid.u32  }
0x45: {  	s1 =	rddreg [dreg:$0x1];
	p0 =	sne.s32 s2, $0x0  }
0x46: {  	s3 =	rddreg [dreg:$0x2];
	[bflag:$0x3] =	sbarrier.arrive $0xFFFF;
	s2 =	simm.s32 @!p0 $0x1C01  }
0x47: {  	[timem:s3], [sflag:s2] =	dma.local @!p0 [hbm:s0], s1  }
0x48: {  	s0 =	simm.s32 @!p0 $0x1  }
0x49: {  	_ =	swait.ge @!p0 [sflag:s0], s1  }
0x4a: {  	s1 =	ssub.s32 @!p0 $0x0, s1;
	[sflag:s0] =	ssyncset.done @!p0 $0x0  }
0x4b: {  	[sflag:s0] =	ssyncadd.s32 @!p0 s1  }
0x4c: {  	[bflag:$0x3] =	sbarrier.arrive $0xFFFF  }
0x4d: {  	_ =	shalt  }

</sc_bundles>
